<compile_context>
chip_gen: v7x
topology: tpu7x:2x2x1
jax: 0.10.2.dev20260603
libtpu: 0.0.44.dev20260713+nightly
codegen_flags: <defaults>
</compile_context>

<pallas_src>
import functools
import math

import jax
import jax.numpy as jnp
from jax import lax
from jax.experimental import pallas as pl
from jax.experimental.pallas import tpu as pltpu
from jax.experimental.pallas import tpu_sc as plsc

_N = 8192
_NUM_BITS = 13
_C = math.exp(-2.0)
_NORM = 1.0 / (1.0 + _C) ** _NUM_BITS
_NS = 16
_PW = _N // _NS
_VPW = _PW // 16

_mesh = plsc.VectorSubcoreMesh(
    core_axis_name="c", subcore_axis_name="s", num_cores=1
)


@functools.partial(
    pl.kernel,
    out_type=jax.ShapeDtypeStruct((16,), jnp.float32),
    mesh=_mesh,
    scratch_types=[
        pltpu.VMEM((_PW,), jnp.float32),
        pltpu.VMEM((16,), jnp.int32),
        pltpu.VMEM((1, 16), jnp.float32),
        pltpu.HBM((_NS, 16), jnp.float32),
        pltpu.VMEM((_NS, 16), jnp.float32),
        pltpu.SemaphoreType.DMA,
    ],
)
def _attend(q_hbm, mem_hbm, out_hbm, mem_v, q_v, part_v, stage_hbm, red_v, sem):
    wid = lax.axis_index("s")
    mem_cp = pltpu.async_copy(mem_hbm.at[pl.ds(wid * _PW, _PW)], mem_v, sem)
    pltpu.sync_copy(q_hbm, q_v)

    qv = q_v[...]
    one = jnp.float32(1.0)
    c = jnp.float32(_C)

    lane = lax.iota(jnp.int32, 16)
    w = jnp.full((16,), jnp.float32(_NORM), dtype=jnp.float32)
    for l in range(4):
        match = ((qv >> l) & 1) == ((lane >> l) & 1)
        w = w * jnp.where(match, one, c)

    x = (jnp.full((16,), 0, dtype=jnp.int32) + wid) ^ (qv >> 9)
    for l in range(4):
        w = w * jnp.where(((x >> l) & 1) == 0, one, c)

    mem_cp.wait()

    vs = [mem_v[pl.ds(j * 16, 16)] for j in range(_VPW)]
    for l in range(8, 3, -1):
        half = 2 ** (l - 4)
        qb = (qv >> l) & 1
        f0 = jnp.where(qb == 0, one, c)
        f1 = jnp.where(qb == 0, c, one)
        vs = [f0 * vs[j] + f1 * vs[j + half] for j in range(half)]

    part_v[0, :] = vs[0] * w
    pltpu.sync_copy(part_v.at[0], stage_hbm.at[wid])
    plsc.subcore_barrier()

    @pl.when(wid == 0)
    def _():
        pltpu.sync_copy(stage_hbm, red_v)
        acc = red_v[0, :]
        for i in range(1, _NS):
            acc = acc + red_v[i, :]
        lanes = lax.iota(jnp.int32, 16)
        dn = lax.GatherDimensionNumbers(
            offset_dims=(), collapsed_slice_dims=(0,), start_index_map=(0,)
        )
        for sh in (8, 4, 2, 1):
            shuf = lax.gather(
                acc,
                (lanes ^ sh)[:, None],
                dn,
                (1,),
                mode=lax.GatherScatterMode.PROMISE_IN_BOUNDS,
            )
            acc = acc + shuf
        part_v[0, :] = acc
        pltpu.sync_copy(part_v.at[0], out_hbm)


def kernel(query_addr, memory):
    q = jnp.full((16,), query_addr.astype(jnp.int32), dtype=jnp.int32)
    out = _attend(q, memory)
    return out[0]

# --- scband reference (transcript-rebuilt; emitter-appended) ---
"""Pipeline reference for scband-hierarchical-attention-62380105007262 (READ-ONLY COPY).

The authoritative reference and input builder live on the scoring server;
editing this copy changes nothing except your own understanding.
"""

import jax, jax.numpy as jnp
import numpy as np

MEMORY_SIZE = 8192
SCALE = 10.0
NUM_BITS = 13  # ceil(log2(8192))


def setup_inputs(seed: int = 0) -> dict:
    key = jax.random.key(seed)
    k1, k2 = jax.random.split(key)
    memory = jax.random.normal(k1, (MEMORY_SIZE,), dtype=jnp.float32)
    query_addr = jax.random.randint(k2, (), 0, MEMORY_SIZE)
    return {"query_addr": query_addr, "memory": memory}


def reference(query_addr, memory):
    # BinaryEncoder.encode: binary bits of query_addr mapped to {-scale, +scale}
    powers = 2 ** jnp.arange(NUM_BITS)
    bits = (query_addr.astype(jnp.int32)[..., None] // powers) % 2  # (NUM_BITS,)
    query = (2.0 * bits.astype(jnp.float32) - 1.0) * SCALE

    # attend_hierarchical_soft
    n = memory.shape[0]
    weights = jnp.ones((n,), dtype=jnp.float32) / n
    positions = jnp.arange(n)
    for level in range(NUM_BITS - 1, -1, -1):
        block_size = 2 ** level
        if block_size >= n:
            continue
        q_bit = query[level]
        k_bits = ((positions >> level) & 1).astype(jnp.float32)
        k_encoded = (2.0 * k_bits - 1.0) * SCALE
        bit_scores = q_bit * k_encoded / (SCALE ** 2)
        weights = weights * jnp.exp(bit_scores)
    weights = weights / jnp.sum(weights)
    return jnp.sum(weights * memory.astype(jnp.float32))

if __name__ == "__main__":
    import jax
    _d = setup_inputs()
    print(jax.jit(kernel)(*tuple(_d.values())))

</pallas_src>

<mosaic_0001>
#map = affine_map<(d0, d1) -> (0)>
module attributes {stable_mosaic.version = 14 : i64} {
  func.func @_attend(%arg0: i32, %arg1: i32, %arg2: memref<16xi32, #tpu.memory_space<hbm>>, %arg3: memref<8192xf32, #tpu.memory_space<hbm>>, %arg4: memref<16xf32, #tpu.memory_space<hbm>>, %arg5: memref<512xf32, #tpu.memory_space<vmem>>, %arg6: memref<16xi32, #tpu.memory_space<vmem>>, %arg7: memref<1x16xf32, #tpu.memory_space<vmem>>, %arg8: memref<16x16xf32, #tpu.memory_space<hbm>>, %arg9: memref<16x16xf32, #tpu.memory_space<vmem>>, %arg10: memref<!tpu.dma_semaphore, #tpu.memory_space<semaphore_mem>>) attributes {dimension_semantics = [#tpu.dimension_semantics<core_parallel>, #tpu.dimension_semantics<subcore_parallel>], iteration_bounds = array<i64: 1, 16>, scalar_prefetch = 0 : i64, scratch_operands = 6 : i64, tpu.core_type = #tpu.core_type<sc_vector_subcore>, window_params = [{transform_indices = #map}, {transform_indices = #map}, {transform_indices = #map}]} {
    %mul3A = arith.constant 512 : i32
    %mul3A_0 = arith.muli %arg1, %mul3A : i32
    %dma_start3A = tpu.memref_slice %arg3[%mul3A_0] : memref<8192xf32, #tpu.memory_space<hbm>> -> memref<512xf32, #tpu.memory_space<hbm>>
    %dma_start3A_1 = tpu.memref_slice %arg3[%mul3A_0] : memref<8192xf32, #tpu.memory_space<hbm>> -> memref<512xf32, #tpu.memory_space<hbm>>
    tpu.enqueue_dma source(%dma_start3A_1 : memref<512xf32, #tpu.memory_space<hbm>>) target(%arg5 : memref<512xf32, #tpu.memory_space<vmem>>) target_semaphore(%arg10 : memref<!tpu.dma_semaphore, #tpu.memory_space<semaphore_mem>>)
    "tpu.region"() ({
      %run_scoped3A_451 = tpu.sem_alloc : memref<!tpu.dma_semaphore, #tpu.memory_space<semaphore_mem>>
      tpu.enqueue_dma source(%arg2 : memref<16xi32, #tpu.memory_space<hbm>>) target(%arg6 : memref<16xi32, #tpu.memory_space<vmem>>) target_semaphore(%run_scoped3A_451 : memref<!tpu.dma_semaphore, #tpu.memory_space<semaphore_mem>>)
      tpu.wait_dma2 semaphore(%run_scoped3A_451 : memref<!tpu.dma_semaphore, #tpu.memory_space<semaphore_mem>>) src(%arg2 : memref<16xi32, #tpu.memory_space<hbm>>) dst(%arg6 : memref<16xi32, #tpu.memory_space<vmem>>)
      tpu.yield
    }) : () -> ()
    %get3A = arith.constant 0 : index
    %get3A_2 = tpu.vector_load %arg6[%get3A] {strides = array<i32>} : memref<16xi32, #tpu.memory_space<vmem>>, vector<16xi32>,
    %get3A_3 = vector.shape_cast %get3A_2 : vector<16xi32> to vector<16xi32>
    %iota3A = tpu.iota {dimensions = array<i32: 0>} : vector<16xi32>
    %broadcast_in_dim3A = arith.constant 0.192037597 : f32
    %broadcast_in_dim3A_4 = vector.broadcast %broadcast_in_dim3A : f32 to vector<16xf32>
    %shift_right_arithmetic3A = arith.constant 0 : i32
    %shift_right_arithmetic3A_5 = vector.broadcast %shift_right_arithmetic3A : i32 to vector<16xi32>
    %shift_right_arithmetic3A_6 = arith.shrsi %get3A_3, %shift_right_arithmetic3A_5 : vector<16xi32>
    %and3A = arith.constant 1 : i32
    %and3A_7 = vector.broadcast %and3A : i32 to vector<16xi32>
    %and3A_8 = arith.andi %shift_right_arithmetic3A_6, %and3A_7 : vector<16xi32>
    %shift_right_arithmetic3A_9 = arith.constant 0 : i32
    %shift_right_arithmetic3A_10 = vector.broadcast %shift_right_arithmetic3A_9 : i32 to vector<16xi32>
    %shift_right_arithmetic3A_11 = arith.shrsi %iota3A, %shift_right_arithmetic3A_10 : vector<16xi32>
    %and3A_12 = arith.constant 1 : i32
    %and3A_13 = vector.broadcast %and3A_12 : i32 to vector<16xi32>
    %and3A_14 = arith.andi %shift_right_arithmetic3A_11, %and3A_13 : vector<16xi32>
    %eq3A = arith.cmpi eq, %and3A_8, %and3A_14 : vector<16xi32>
    %jit3A = arith.constant 1.000000e+00 : f32
    %jit3A_15 = arith.constant 0.135335281 : f32
    %broadcast_in_dim3A_16 = vector.broadcast %jit3A : f32 to vector<16xf32>
    %broadcast_in_dim3A_17 = vector.broadcast %jit3A_15 : f32 to vector<16xf32>
    %select_n3A = arith.select %eq3A, %broadcast_in_dim3A_16, %broadcast_in_dim3A_17 : vector<16xi1>, vector<16xf32>
    %mul3A_18 = arith.mulf %broadcast_in_dim3A_4, %select_n3A : vector<16xf32>
    %shift_right_arithmetic3A_19 = arith.constant 1 : i32
    %shift_right_arithmetic3A_20 = vector.broadcast %shift_right_arithmetic3A_19 : i32 to vector<16xi32>
    %shift_right_arithmetic3A_21 = arith.shrsi %get3A_3, %shift_right_arithmetic3A_20 : vector<16xi32>
    %and3A_22 = arith.constant 1 : i32
    %and3A_23 = vector.broadcast %and3A_22 : i32 to vector<16xi32>
    %and3A_24 = arith.andi %shift_right_arithmetic3A_21, %and3A_23 : vector<16xi32>
    %shift_right_arithmetic3A_25 = arith.constant 1 : i32
    %shift_right_arithmetic3A_26 = vector.broadcast %shift_right_arithmetic3A_25 : i32 to vector<16xi32>
    %shift_right_arithmetic3A_27 = arith.shrsi %iota3A, %shift_right_arithmetic3A_26 : vector<16xi32>
    %and3A_28 = arith.constant 1 : i32
    %and3A_29 = vector.broadcast %and3A_28 : i32 to vector<16xi32>
    %and3A_30 = arith.andi %shift_right_arithmetic3A_27, %and3A_29 : vector<16xi32>
    %eq3A_31 = arith.cmpi eq, %and3A_24, %and3A_30 : vector<16xi32>
    %jit3A_32 = arith.constant 1.000000e+00 : f32
    %jit3A_33 = arith.constant 0.135335281 : f32
    %broadcast_in_dim3A_34 = vector.broadcast %jit3A_32 : f32 to vector<16xf32>
    %broadcast_in_dim3A_35 = vector.broadcast %jit3A_33 : f32 to vector<16xf32>
    %select_n3A_36 = arith.select %eq3A_31, %broadcast_in_dim3A_34, %broadcast_in_dim3A_35 : vector<16xi1>, vector<16xf32>
    %mul3A_37 = arith.mulf %mul3A_18, %select_n3A_36 : vector<16xf32>
    %shift_right_arithmetic3A_38 = arith.constant 2 : i32
    %shift_right_arithmetic3A_39 = vector.broadcast %shift_right_arithmetic3A_38 : i32 to vector<16xi32>
    %shift_right_arithmetic3A_40 = arith.shrsi %get3A_3, %shift_right_arithmetic3A_39 : vector<16xi32>
    %and3A_41 = arith.constant 1 : i32
    %and3A_42 = vector.broadcast %and3A_41 : i32 to vector<16xi32>
    %and3A_43 = arith.andi %shift_right_arithmetic3A_40, %and3A_42 : vector<16xi32>
    %shift_right_arithmetic3A_44 = arith.constant 2 : i32
    %shift_right_arithmetic3A_45 = vector.broadcast %shift_right_arithmetic3A_44 : i32 to vector<16xi32>
    %shift_right_arithmetic3A_46 = arith.shrsi %iota3A, %shift_right_arithmetic3A_45 : vector<16xi32>
    %and3A_47 = arith.constant 1 : i32
    %and3A_48 = vector.broadcast %and3A_47 : i32 to vector<16xi32>
    %and3A_49 = arith.andi %shift_right_arithmetic3A_46, %and3A_48 : vector<16xi32>
    %eq3A_50 = arith.cmpi eq, %and3A_43, %and3A_49 : vector<16xi32>
    %jit3A_51 = arith.constant 1.000000e+00 : f32
    %jit3A_52 = arith.constant 0.135335281 : f32
    %broadcast_in_dim3A_53 = vector.broadcast %jit3A_51 : f32 to vector<16xf32>
    %broadcast_in_dim3A_54 = vector.broadcast %jit3A_52 : f32 to vector<16xf32>
    %select_n3A_55 = arith.select %eq3A_50, %broadcast_in_dim3A_53, %broadcast_in_dim3A_54 : vector<16xi1>, vector<16xf32>
    %mul3A_56 = arith.mulf %mul3A_37, %select_n3A_55 : vector<16xf32>
    %shift_right_arithmetic3A_57 = arith.constant 3 : i32
    %shift_right_arithmetic3A_58 = vector.broadcast %shift_right_arithmetic3A_57 : i32 to vector<16xi32>
    %shift_right_arithmetic3A_59 = arith.shrsi %get3A_3, %shift_right_arithmetic3A_58 : vector<16xi32>
    %and3A_60 = arith.constant 1 : i32
    %and3A_61 = vector.broadcast %and3A_60 : i32 to vector<16xi32>
    %and3A_62 = arith.andi %shift_right_arithmetic3A_59, %and3A_61 : vector<16xi32>
    %shift_right_arithmetic3A_63 = arith.constant 3 : i32
    %shift_right_arithmetic3A_64 = vector.broadcast %shift_right_arithmetic3A_63 : i32 to vector<16xi32>
    %shift_right_arithmetic3A_65 = arith.shrsi %iota3A, %shift_right_arithmetic3A_64 : vector<16xi32>
    %and3A_66 = arith.constant 1 : i32
    %and3A_67 = vector.broadcast %and3A_66 : i32 to vector<16xi32>
    %and3A_68 = arith.andi %shift_right_arithmetic3A_65, %and3A_67 : vector<16xi32>
    %eq3A_69 = arith.cmpi eq, %and3A_62, %and3A_68 : vector<16xi32>
    %jit3A_70 = arith.constant 1.000000e+00 : f32
    %jit3A_71 = arith.constant 0.135335281 : f32
    %broadcast_in_dim3A_72 = vector.broadcast %jit3A_70 : f32 to vector<16xf32>
    %broadcast_in_dim3A_73 = vector.broadcast %jit3A_71 : f32 to vector<16xf32>
    %select_n3A_74 = arith.select %eq3A_69, %broadcast_in_dim3A_72, %broadcast_in_dim3A_73 : vector<16xi1>, vector<16xf32>
    %mul3A_75 = arith.mulf %mul3A_56, %select_n3A_74 : vector<16xf32>
    %broadcast_in_dim3A_76 = arith.constant 0 : i32
    %broadcast_in_dim3A_77 = vector.broadcast %broadcast_in_dim3A_76 : i32 to vector<16xi32>
    %add3A = vector.broadcast %arg1 : i32 to vector<16xi32>
    %add3A_78 = arith.addi %broadcast_in_dim3A_77, %add3A : vector<16xi32>
    %shift_right_arithmetic3A_79 = arith.constant 9 : i32
    %shift_right_arithmetic3A_80 = vector.broadcast %shift_right_arithmetic3A_79 : i32 to vector<16xi32>
    %shift_right_arithmetic3A_81 = arith.shrsi %get3A_3, %shift_right_arithmetic3A_80 : vector<16xi32>
    %xor3A = arith.xori %add3A_78, %shift_right_arithmetic3A_81 : vector<16xi32>
    %shift_right_arithmetic3A_82 = arith.constant 0 : i32
    %shift_right_arithmetic3A_83 = vector.broadcast %shift_right_arithmetic3A_82 : i32 to vector<16xi32>
    %shift_right_arithmetic3A_84 = arith.shrsi %xor3A, %shift_right_arithmetic3A_83 : vector<16xi32>
    %and3A_85 = arith.constant 1 : i32
    %and3A_86 = vector.broadcast %and3A_85 : i32 to vector<16xi32>
    %and3A_87 = arith.andi %shift_right_arithmetic3A_84, %and3A_86 : vector<16xi32>
    %eq3A_88 = arith.constant 0 : i32
    %eq3A_89 = vector.broadcast %eq3A_88 : i32 to vector<16xi32>
    %eq3A_90 = arith.cmpi eq, %and3A_87, %eq3A_89 : vector<16xi32>
    %jit3A_91 = arith.constant 1.000000e+00 : f32
    %jit3A_92 = arith.constant 0.135335281 : f32
    %broadcast_in_dim3A_93 = vector.broadcast %jit3A_91 : f32 to vector<16xf32>
    %broadcast_in_dim3A_94 = vector.broadcast %jit3A_92 : f32 to vector<16xf32>
    %select_n3A_95 = arith.select %eq3A_90, %broadcast_in_dim3A_93, %broadcast_in_dim3A_94 : vector<16xi1>, vector<16xf32>
    %mul3A_96 = arith.mulf %mul3A_75, %select_n3A_95 : vector<16xf32>
    %shift_right_arithmetic3A_97 = arith.constant 1 : i32
    %shift_right_arithmetic3A_98 = vector.broadcast %shift_right_arithmetic3A_97 : i32 to vector<16xi32>
    %shift_right_arithmetic3A_99 = arith.shrsi %xor3A, %shift_right_arithmetic3A_98 : vector<16xi32>
    %and3A_100 = arith.constant 1 : i32
    %and3A_101 = vector.broadcast %and3A_100 : i32 to vector<16xi32>
    %and3A_102 = arith.andi %shift_right_arithmetic3A_99, %and3A_101 : vector<16xi32>
    %eq3A_103 = arith.constant 0 : i32
    %eq3A_104 = vector.broadcast %eq3A_103 : i32 to vector<16xi32>
    %eq3A_105 = arith.cmpi eq, %and3A_102, %eq3A_104 : vector<16xi32>
    %jit3A_106 = arith.constant 1.000000e+00 : f32
    %jit3A_107 = arith.constant 0.135335281 : f32
    %broadcast_in_dim3A_108 = vector.broadcast %jit3A_106 : f32 to vector<16xf32>
    %broadcast_in_dim3A_109 = vector.broadcast %jit3A_107 : f32 to vector<16xf32>
    %select_n3A_110 = arith.select %eq3A_105, %broadcast_in_dim3A_108, %broadcast_in_dim3A_109 : vector<16xi1>, vector<16xf32>
    %mul3A_111 = arith.mulf %mul3A_96, %select_n3A_110 : vector<16xf32>
    %shift_right_arithmetic3A_112 = arith.constant 2 : i32
    %shift_right_arithmetic3A_113 = vector.broadcast %shift_right_arithmetic3A_112 : i32 to vector<16xi32>
    %shift_right_arithmetic3A_114 = arith.shrsi %xor3A, %shift_right_arithmetic3A_113 : vector<16xi32>
    %and3A_115 = arith.constant 1 : i32
    %and3A_116 = vector.broadcast %and3A_115 : i32 to vector<16xi32>
    %and3A_117 = arith.andi %shift_right_arithmetic3A_114, %and3A_116 : vector<16xi32>
    %eq3A_118 = arith.constant 0 : i32
    %eq3A_119 = vector.broadcast %eq3A_118 : i32 to vector<16xi32>
    %eq3A_120 = arith.cmpi eq, %and3A_117, %eq3A_119 : vector<16xi32>
    %jit3A_121 = arith.constant 1.000000e+00 : f32
    %jit3A_122 = arith.constant 0.135335281 : f32
    %broadcast_in_dim3A_123 = vector.broadcast %jit3A_121 : f32 to vector<16xf32>
    %broadcast_in_dim3A_124 = vector.broadcast %jit3A_122 : f32 to vector<16xf32>
    %select_n3A_125 = arith.select %eq3A_120, %broadcast_in_dim3A_123, %broadcast_in_dim3A_124 : vector<16xi1>, vector<16xf32>
    %mul3A_126 = arith.mulf %mul3A_111, %select_n3A_125 : vector<16xf32>
    %shift_right_arithmetic3A_127 = arith.constant 3 : i32
    %shift_right_arithmetic3A_128 = vector.broadcast %shift_right_arithmetic3A_127 : i32 to vector<16xi32>
    %shift_right_arithmetic3A_129 = arith.shrsi %xor3A, %shift_right_arithmetic3A_128 : vector<16xi32>
    %and3A_130 = arith.constant 1 : i32
    %and3A_131 = vector.broadcast %and3A_130 : i32 to vector<16xi32>
    %and3A_132 = arith.andi %shift_right_arithmetic3A_129, %and3A_131 : vector<16xi32>
    %eq3A_133 = arith.constant 0 : i32
    %eq3A_134 = vector.broadcast %eq3A_133 : i32 to vector<16xi32>
    %eq3A_135 = arith.cmpi eq, %and3A_132, %eq3A_134 : vector<16xi32>
    %jit3A_136 = arith.constant 1.000000e+00 : f32
    %jit3A_137 = arith.constant 0.135335281 : f32
    %broadcast_in_dim3A_138 = vector.broadcast %jit3A_136 : f32 to vector<16xf32>
    %broadcast_in_dim3A_139 = vector.broadcast %jit3A_137 : f32 to vector<16xf32>
    %select_n3A_140 = arith.select %eq3A_135, %broadcast_in_dim3A_138, %broadcast_in_dim3A_139 : vector<16xi1>, vector<16xf32>
    %mul3A_141 = arith.mulf %mul3A_126, %select_n3A_140 : vector<16xf32>
    %dma_wait3A = tpu.memref_slice %arg3[%mul3A_0] : memref<8192xf32, #tpu.memory_space<hbm>> -> memref<512xf32, #tpu.memory_space<hbm>>
    %dma_wait3A_142 = tpu.memref_slice %arg3[%mul3A_0] : memref<8192xf32, #tpu.memory_space<hbm>> -> memref<512xf32, #tpu.memory_space<hbm>>
    tpu.wait_dma2 semaphore(%arg10 : memref<!tpu.dma_semaphore, #tpu.memory_space<semaphore_mem>>) src(%dma_wait3A_142 : memref<512xf32, #tpu.memory_space<hbm>>) dst(%arg5 : memref<512xf32, #tpu.memory_space<vmem>>)
    %get3A_143 = arith.constant 0 : index
    %get3A_144 = tpu.vector_load %arg5[%get3A_143] {strides = array<i32>} : memref<512xf32, #tpu.memory_space<vmem>>, vector<16xf32>,
    %get3A_145 = vector.shape_cast %get3A_144 : vector<16xf32> to vector<16xf32>
    %get3A_146 = arith.constant 16 : index
    %get3A_147 = tpu.vector_load %arg5[%get3A_146] {strides = array<i32>} : memref<512xf32, #tpu.memory_space<vmem>>, vector<16xf32>,
    %get3A_148 = vector.shape_cast %get3A_147 : vector<16xf32> to vector<16xf32>
    %get3A_149 = arith.constant 32 : index
    %get3A_150 = tpu.vector_load %arg5[%get3A_149] {strides = array<i32>} : memref<512xf32, #tpu.memory_space<vmem>>, vector<16xf32>,
    %get3A_151 = vector.shape_cast %get3A_150 : vector<16xf32> to vector<16xf32>
    %get3A_152 = arith.constant 48 : index
    %get3A_153 = tpu.vector_load %arg5[%get3A_152] {strides = array<i32>} : memref<512xf32, #tpu.memory_space<vmem>>, vector<16xf32>,
    %get3A_154 = vector.shape_cast %get3A_153 : vector<16xf32> to vector<16xf32>
    %get3A_155 = arith.constant 64 : index
    %get3A_156 = tpu.vector_load %arg5[%get3A_155] {strides = array<i32>} : memref<512xf32, #tpu.memory_space<vmem>>, vector<16xf32>,
    %get3A_157 = vector.shape_cast %get3A_156 : vector<16xf32> to vector<16xf32>
    %get3A_158 = arith.constant 80 : index
    %get3A_159 = tpu.vector_load %arg5[%get3A_158] {strides = array<i32>} : memref<512xf32, #tpu.memory_space<vmem>>, vector<16xf32>,
    %get3A_160 = vector.shape_cast %get3A_159 : vector<16xf32> to vector<16xf32>
    %get3A_161 = arith.constant 96 : index
    %get3A_162 = tpu.vector_load %arg5[%get3A_161] {strides = array<i32>} : memref<512xf32, #tpu.memory_space<vmem>>, vector<16xf32>,
    %get3A_163 = vector.shape_cast %get3A_162 : vector<16xf32> to vector<16xf32>
    %get3A_164 = arith.constant 112 : index
    %get3A_165 = tpu.vector_load %arg5[%get3A_164] {strides = array<i32>} : memref<512xf32, #tpu.memory_space<vmem>>, vector<16xf32>,
    %get3A_166 = vector.shape_cast %get3A_165 : vector<16xf32> to vector<16xf32>
    %get3A_167 = arith.constant 128 : index
    %get3A_168 = tpu.vector_load %arg5[%get3A_167] {strides = array<i32>} : memref<512xf32, #tpu.memory_space<vmem>>, vector<16xf32>,
    %get3A_169 = vector.shape_cast %get3A_168 : vector<16xf32> to vector<16xf32>
    %get3A_170 = arith.constant 144 : index
    %get3A_171 = tpu.vector_load %arg5[%get3A_170] {strides = array<i32>} : memref<512xf32, #tpu.memory_space<vmem>>, vector<16xf32>,
    %get3A_172 = vector.shape_cast %get3A_171 : vector<16xf32> to vector<16xf32>
    %get3A_173 = arith.constant 160 : index
    %get3A_174 = tpu.vector_load %arg5[%get3A_173] {strides = array<i32>} : memref<512xf32, #tpu.memory_space<vmem>>, vector<16xf32>,
    %get3A_175 = vector.shape_cast %get3A_174 : vector<16xf32> to vector<16xf32>
    %get3A_176 = arith.constant 176 : index
    %get3A_177 = tpu.vector_load %arg5[%get3A_176] {strides = array<i32>} : memref<512xf32, #tpu.memory_space<vmem>>, vector<16xf32>,
    %get3A_178 = vector.shape_cast %get3A_177 : vector<16xf32> to vector<16xf32>
    %get3A_179 = arith.constant 192 : index
    %get3A_180 = tpu.vector_load %arg5[%get3A_179] {strides = array<i32>} : memref<512xf32, #tpu.memory_space<vmem>>, vector<16xf32>,
    %get3A_181 = vector.shape_cast %get3A_180 : vector<16xf32> to vector<16xf32>
    %get3A_182 = arith.constant 208 : index
    %get3A_183 = tpu.vector_load %arg5[%get3A_182] {strides = array<i32>} : memref<512xf32, #tpu.memory_space<vmem>>, vector<16xf32>,
    %get3A_184 = vector.shape_cast %get3A_183 : vector<16xf32> to vector<16xf32>
    %get3A_185 = arith.constant 224 : index
    %get3A_186 = tpu.vector_load %arg5[%get3A_185] {strides = array<i32>} : memref<512xf32, #tpu.memory_space<vmem>>, vector<16xf32>,
    %get3A_187 = vector.shape_cast %get3A_186 : vector<16xf32> to vector<16xf32>
    %get3A_188 = arith.constant 240 : index
    %get3A_189 = tpu.vector_load %arg5[%get3A_188] {strides = array<i32>} : memref<512xf32, #tpu.memory_space<vmem>>, vector<16xf32>,
    %get3A_190 = vector.shape_cast %get3A_189 : vector<16xf32> to vector<16xf32>
    %get3A_191 = arith.constant 256 : index
    %get3A_192 = tpu.vector_load %arg5[%get3A_191] {strides = array<i32>} : memref<512xf32, #tpu.memory_space<vmem>>, vector<16xf32>,
    %get3A_193 = vector.shape_cast %get3A_192 : vector<16xf32> to vector<16xf32>
    %get3A_194 = arith.constant 272 : index
    %get3A_195 = tpu.vector_load %arg5[%get3A_194] {strides = array<i32>} : memref<512xf32, #tpu.memory_space<vmem>>, vector<16xf32>,
    %get3A_196 = vector.shape_cast %get3A_195 : vector<16xf32> to vector<16xf32>
    %get3A_197 = arith.constant 288 : index
    %get3A_198 = tpu.vector_load %arg5[%get3A_197] {strides = array<i32>} : memref<512xf32, #tpu.memory_space<vmem>>, vector<16xf32>,
    %get3A_199 = vector.shape_cast %get3A_198 : vector<16xf32> to vector<16xf32>
    %get3A_200 = arith.constant 304 : index
    %get3A_201 = tpu.vector_load %arg5[%get3A_200] {strides = array<i32>} : memref<512xf32, #tpu.memory_space<vmem>>, vector<16xf32>,
    %get3A_202 = vector.shape_cast %get3A_201 : vector<16xf32> to vector<16xf32>
    %get3A_203 = arith.constant 320 : index
    %get3A_204 = tpu.vector_load %arg5[%get3A_203] {strides = array<i32>} : memref<512xf32, #tpu.memory_space<vmem>>, vector<16xf32>,
    %get3A_205 = vector.shape_cast %get3A_204 : vector<16xf32> to vector<16xf32>
    %get3A_206 = arith.constant 336 : index
    %get3A_207 = tpu.vector_load %arg5[%get3A_206] {strides = array<i32>} : memref<512xf32, #tpu.memory_space<vmem>>, vector<16xf32>,
    %get3A_208 = vector.shape_cast %get3A_207 : vector<16xf32> to vector<16xf32>
    %get3A_209 = arith.constant 352 : index
    %get3A_210 = tpu.vector_load %arg5[%get3A_209] {strides = array<i32>} : memref<512xf32, #tpu.memory_space<vmem>>, vector<16xf32>,
    %get3A_211 = vector.shape_cast %get3A_210 : vector<16xf32> to vector<16xf32>
    %get3A_212 = arith.constant 368 : index
    %get3A_213 = tpu.vector_load %arg5[%get3A_212] {strides = array<i32>} : memref<512xf32, #tpu.memory_space<vmem>>, vector<16xf32>,
    %get3A_214 = vector.shape_cast %get3A_213 : vector<16xf32> to vector<16xf32>
    %get3A_215 = arith.constant 384 : index
    %get3A_216 = tpu.vector_load %arg5[%get3A_215] {strides = array<i32>} : memref<512xf32, #tpu.memory_space<vmem>>, vector<16xf32>,
    %get3A_217 = vector.shape_cast %get3A_216 : vector<16xf32> to vector<16xf32>
    %get3A_218 = arith.constant 400 : index
    %get3A_219 = tpu.vector_load %arg5[%get3A_218] {strides = array<i32>} : memref<512xf32, #tpu.memory_space<vmem>>, vector<16xf32>,
    %get3A_220 = vector.shape_cast %get3A_219 : vector<16xf32> to vector<16xf32>
    %get3A_221 = arith.constant 416 : index
    %get3A_222 = tpu.vector_load %arg5[%get3A_221] {strides = array<i32>} : memref<512xf32, #tpu.memory_space<vmem>>, vector<16xf32>,
    %get3A_223 = vector.shape_cast %get3A_222 : vector<16xf32> to vector<16xf32>
    %get3A_224 = arith.constant 432 : index
    %get3A_225 = tpu.vector_load %arg5[%get3A_224] {strides = array<i32>} : memref<512xf32, #tpu.memory_space<vmem>>, vector<16xf32>,
    %get3A_226 = vector.shape_cast %get3A_225 : vector<16xf32> to vector<16xf32>
    %get3A_227 = arith.constant 448 : index
    %get3A_228 = tpu.vector_load %arg5[%get3A_227] {strides = array<i32>} : memref<512xf32, #tpu.memory_space<vmem>>, vector<16xf32>,
    %get3A_229 = vector.shape_cast %get3A_228 : vector<16xf32> to vector<16xf32>
    %get3A_230 = arith.constant 464 : index
    %get3A_231 = tpu.vector_load %arg5[%get3A_230] {strides = array<i32>} : memref<512xf32, #tpu.memory_space<vmem>>, vector<16xf32>,
    %get3A_232 = vector.shape_cast %get3A_231 : vector<16xf32> to vector<16xf32>
    %get3A_233 = arith.constant 480 : index
    %get3A_234 = tpu.vector_load %arg5[%get3A_233] {strides = array<i32>} : memref<512xf32, #tpu.memory_space<vmem>>, vector<16xf32>,
    %get3A_235 = vector.shape_cast %get3A_234 : vector<16xf32> to vector<16xf32>
    %get3A_236 = arith.constant 496 : index
    %get3A_237 = tpu.vector_load %arg5[%get3A_236] {strides = array<i32>} : memref<512xf32, #tpu.memory_space<vmem>>, vector<16xf32>,
    %get3A_238 = vector.shape_cast %get3A_237 : vector<16xf32> to vector<16xf32>
    %shift_right_arithmetic3A_239 = arith.constant 8 : i32
    %shift_right_arithmetic3A_240 = vector.broadcast %shift_right_arithmetic3A_239 : i32 to vector<16xi32>
    %shift_right_arithmetic3A_241 = arith.shrsi %get3A_3, %shift_right_arithmetic3A_240 : vector<16xi32>
    %and3A_242 = arith.constant 1 : i32
    %and3A_243 = vector.broadcast %and3A_242 : i32 to vector<16xi32>
    %and3A_244 = arith.andi %shift_right_arithmetic3A_241, %and3A_243 : vector<16xi32>
    %eq3A_245 = arith.constant 0 : i32
    %eq3A_246 = vector.broadcast %eq3A_245 : i32 to vector<16xi32>
    %eq3A_247 = arith.cmpi eq, %and3A_244, %eq3A_246 : vector<16xi32>
    %jit3A_248 = arith.constant 1.000000e+00 : f32
    %jit3A_249 = arith.constant 0.135335281 : f32
    %broadcast_in_dim3A_250 = vector.broadcast %jit3A_248 : f32 to vector<16xf32>
    %broadcast_in_dim3A_251 = vector.broadcast %jit3A_249 : f32 to vector<16xf32>
    %select_n3A_252 = arith.select %eq3A_247, %broadcast_in_dim3A_250, %broadcast_in_dim3A_251 : vector<16xi1>, vector<16xf32>
    %eq3A_253 = arith.constant 0 : i32
    %eq3A_254 = vector.broadcast %eq3A_253 : i32 to vector<16xi32>
    %eq3A_255 = arith.cmpi eq, %and3A_244, %eq3A_254 : vector<16xi32>
    %jit3A_256 = arith.constant 0.135335281 : f32
    %jit3A_257 = arith.constant 1.000000e+00 : f32
    %broadcast_in_dim3A_258 = vector.broadcast %jit3A_256 : f32 to vector<16xf32>
    %broadcast_in_dim3A_259 = vector.broadcast %jit3A_257 : f32 to vector<16xf32>
    %select_n3A_260 = arith.select %eq3A_255, %broadcast_in_dim3A_258, %broadcast_in_dim3A_259 : vector<16xi1>, vector<16xf32>
    %mul3A_261 = arith.mulf %select_n3A_252, %get3A_145 : vector<16xf32>
    %mul3A_262 = arith.mulf %select_n3A_260, %get3A_193 : vector<16xf32>
    %add3A_263 = arith.addf %mul3A_261, %mul3A_262 : vector<16xf32>
    %mul3A_264 = arith.mulf %select_n3A_252, %get3A_148 : vector<16xf32>
    %mul3A_265 = arith.mulf %select_n3A_260, %get3A_196 : vector<16xf32>
    %add3A_266 = arith.addf %mul3A_264, %mul3A_265 : vector<16xf32>
    %mul3A_267 = arith.mulf %select_n3A_252, %get3A_151 : vector<16xf32>
    %mul3A_268 = arith.mulf %select_n3A_260, %get3A_199 : vector<16xf32>
    %add3A_269 = arith.addf %mul3A_267, %mul3A_268 : vector<16xf32>
    %mul3A_270 = arith.mulf %select_n3A_252, %get3A_154 : vector<16xf32>
    %mul3A_271 = arith.mulf %select_n3A_260, %get3A_202 : vector<16xf32>
    %add3A_272 = arith.addf %mul3A_270, %mul3A_271 : vector<16xf32>
    %mul3A_273 = arith.mulf %select_n3A_252, %get3A_157 : vector<16xf32>
    %mul3A_274 = arith.mulf %select_n3A_260, %get3A_205 : vector<16xf32>
    %add3A_275 = arith.addf %mul3A_273, %mul3A_274 : vector<16xf32>
    %mul3A_276 = arith.mulf %select_n3A_252, %get3A_160 : vector<16xf32>
    %mul3A_277 = arith.mulf %select_n3A_260, %get3A_208 : vector<16xf32>
    %add3A_278 = arith.addf %mul3A_276, %mul3A_277 : vector<16xf32>
    %mul3A_279 = arith.mulf %select_n3A_252, %get3A_163 : vector<16xf32>
    %mul3A_280 = arith.mulf %select_n3A_260, %get3A_211 : vector<16xf32>
    %add3A_281 = arith.addf %mul3A_279, %mul3A_280 : vector<16xf32>
    %mul3A_282 = arith.mulf %select_n3A_252, %get3A_166 : vector<16xf32>
    %mul3A_283 = arith.mulf %select_n3A_260, %get3A_214 : vector<16xf32>
    %add3A_284 = arith.addf %mul3A_282, %mul3A_283 : vector<16xf32>
    %mul3A_285 = arith.mulf %select_n3A_252, %get3A_169 : vector<16xf32>
    %mul3A_286 = arith.mulf %select_n3A_260, %get3A_217 : vector<16xf32>
    %add3A_287 = arith.addf %mul3A_285, %mul3A_286 : vector<16xf32>
    %mul3A_288 = arith.mulf %select_n3A_252, %get3A_172 : vector<16xf32>
    %mul3A_289 = arith.mulf %select_n3A_260, %get3A_220 : vector<16xf32>
    %add3A_290 = arith.addf %mul3A_288, %mul3A_289 : vector<16xf32>
    %mul3A_291 = arith.mulf %select_n3A_252, %get3A_175 : vector<16xf32>
    %mul3A_292 = arith.mulf %select_n3A_260, %get3A_223 : vector<16xf32>
    %add3A_293 = arith.addf %mul3A_291, %mul3A_292 : vector<16xf32>
    %mul3A_294 = arith.mulf %select_n3A_252, %get3A_178 : vector<16xf32>
    %mul3A_295 = arith.mulf %select_n3A_260, %get3A_226 : vector<16xf32>
    %add3A_296 = arith.addf %mul3A_294, %mul3A_295 : vector<16xf32>
    %mul3A_297 = arith.mulf %select_n3A_252, %get3A_181 : vector<16xf32>
    %mul3A_298 = arith.mulf %select_n3A_260, %get3A_229 : vector<16xf32>
    %add3A_299 = arith.addf %mul3A_297, %mul3A_298 : vector<16xf32>
    %mul3A_300 = arith.mulf %select_n3A_252, %get3A_184 : vector<16xf32>
    %mul3A_301 = arith.mulf %select_n3A_260, %get3A_232 : vector<16xf32>
    %add3A_302 = arith.addf %mul3A_300, %mul3A_301 : vector<16xf32>
    %mul3A_303 = arith.mulf %select_n3A_252, %get3A_187 : vector<16xf32>
    %mul3A_304 = arith.mulf %select_n3A_260, %get3A_235 : vector<16xf32>
    %add3A_305 = arith.addf %mul3A_303, %mul3A_304 : vector<16xf32>
    %mul3A_306 = arith.mulf %select_n3A_252, %get3A_190 : vector<16xf32>
    %mul3A_307 = arith.mulf %select_n3A_260, %get3A_238 : vector<16xf32>
    %add3A_308 = arith.addf %mul3A_306, %mul3A_307 : vector<16xf32>
    %shift_right_arithmetic3A_309 = arith.constant 7 : i32
    %shift_right_arithmetic3A_310 = vector.broadcast %shift_right_arithmetic3A_309 : i32 to vector<16xi32>
    %shift_right_arithmetic3A_311 = arith.shrsi %get3A_3, %shift_right_arithmetic3A_310 : vector<16xi32>
    %and3A_312 = arith.constant 1 : i32
    %and3A_313 = vector.broadcast %and3A_312 : i32 to vector<16xi32>
    %and3A_314 = arith.andi %shift_right_arithmetic3A_311, %and3A_313 : vector<16xi32>
    %eq3A_315 = arith.constant 0 : i32
    %eq3A_316 = vector.broadcast %eq3A_315 : i32 to vector<16xi32>
    %eq3A_317 = arith.cmpi eq, %and3A_314, %eq3A_316 : vector<16xi32>
    %jit3A_318 = arith.constant 1.000000e+00 : f32
    %jit3A_319 = arith.constant 0.135335281 : f32
    %broadcast_in_dim3A_320 = vector.broadcast %jit3A_318 : f32 to vector<16xf32>
    %broadcast_in_dim3A_321 = vector.broadcast %jit3A_319 : f32 to vector<16xf32>
    %select_n3A_322 = arith.select %eq3A_317, %broadcast_in_dim3A_320, %broadcast_in_dim3A_321 : vector<16xi1>, vector<16xf32>
    %eq3A_323 = arith.constant 0 : i32
    %eq3A_324 = vector.broadcast %eq3A_323 : i32 to vector<16xi32>
    %eq3A_325 = arith.cmpi eq, %and3A_314, %eq3A_324 : vector<16xi32>
    %jit3A_326 = arith.constant 0.135335281 : f32
    %jit3A_327 = arith.constant 1.000000e+00 : f32
    %broadcast_in_dim3A_328 = vector.broadcast %jit3A_326 : f32 to vector<16xf32>
    %broadcast_in_dim3A_329 = vector.broadcast %jit3A_327 : f32 to vector<16xf32>
    %select_n3A_330 = arith.select %eq3A_325, %broadcast_in_dim3A_328, %broadcast_in_dim3A_329 : vector<16xi1>, vector<16xf32>
    %mul3A_331 = arith.mulf %select_n3A_322, %add3A_263 : vector<16xf32>
    %mul3A_332 = arith.mulf %select_n3A_330, %add3A_287 : vector<16xf32>
    %add3A_333 = arith.addf %mul3A_331, %mul3A_332 : vector<16xf32>
    %mul3A_334 = arith.mulf %select_n3A_322, %add3A_266 : vector<16xf32>
    %mul3A_335 = arith.mulf %select_n3A_330, %add3A_290 : vector<16xf32>
    %add3A_336 = arith.addf %mul3A_334, %mul3A_335 : vector<16xf32>
    %mul3A_337 = arith.mulf %select_n3A_322, %add3A_269 : vector<16xf32>
    %mul3A_338 = arith.mulf %select_n3A_330, %add3A_293 : vector<16xf32>
    %add3A_339 = arith.addf %mul3A_337, %mul3A_338 : vector<16xf32>
    %mul3A_340 = arith.mulf %select_n3A_322, %add3A_272 : vector<16xf32>
    %mul3A_341 = arith.mulf %select_n3A_330, %add3A_296 : vector<16xf32>
    %add3A_342 = arith.addf %mul3A_340, %mul3A_341 : vector<16xf32>
    %mul3A_343 = arith.mulf %select_n3A_322, %add3A_275 : vector<16xf32>
    %mul3A_344 = arith.mulf %select_n3A_330, %add3A_299 : vector<16xf32>
    %add3A_345 = arith.addf %mul3A_343, %mul3A_344 : vector<16xf32>
    %mul3A_346 = arith.mulf %select_n3A_322, %add3A_278 : vector<16xf32>
    %mul3A_347 = arith.mulf %select_n3A_330, %add3A_302 : vector<16xf32>
    %add3A_348 = arith.addf %mul3A_346, %mul3A_347 : vector<16xf32>
    %mul3A_349 = arith.mulf %select_n3A_322, %add3A_281 : vector<16xf32>
    %mul3A_350 = arith.mulf %select_n3A_330, %add3A_305 : vector<16xf32>
    %add3A_351 = arith.addf %mul3A_349, %mul3A_350 : vector<16xf32>
    %mul3A_352 = arith.mulf %select_n3A_322, %add3A_284 : vector<16xf32>
    %mul3A_353 = arith.mulf %select_n3A_330, %add3A_308 : vector<16xf32>
    %add3A_354 = arith.addf %mul3A_352, %mul3A_353 : vector<16xf32>
    %shift_right_arithmetic3A_355 = arith.constant 6 : i32
    %shift_right_arithmetic3A_356 = vector.broadcast %shift_right_arithmetic3A_355 : i32 to vector<16xi32>
    %shift_right_arithmetic3A_357 = arith.shrsi %get3A_3, %shift_right_arithmetic3A_356 : vector<16xi32>
    %and3A_358 = arith.constant 1 : i32
    %and3A_359 = vector.broadcast %and3A_358 : i32 to vector<16xi32>
    %and3A_360 = arith.andi %shift_right_arithmetic3A_357, %and3A_359 : vector<16xi32>
    %eq3A_361 = arith.constant 0 : i32
    %eq3A_362 = vector.broadcast %eq3A_361 : i32 to vector<16xi32>
    %eq3A_363 = arith.cmpi eq, %and3A_360, %eq3A_362 : vector<16xi32>
    %jit3A_364 = arith.constant 1.000000e+00 : f32
    %jit3A_365 = arith.constant 0.135335281 : f32
    %broadcast_in_dim3A_366 = vector.broadcast %jit3A_364 : f32 to vector<16xf32>
    %broadcast_in_dim3A_367 = vector.broadcast %jit3A_365 : f32 to vector<16xf32>
    %select_n3A_368 = arith.select %eq3A_363, %broadcast_in_dim3A_366, %broadcast_in_dim3A_367 : vector<16xi1>, vector<16xf32>
    %eq3A_369 = arith.constant 0 : i32
    %eq3A_370 = vector.broadcast %eq3A_369 : i32 to vector<16xi32>
    %eq3A_371 = arith.cmpi eq, %and3A_360, %eq3A_370 : vector<16xi32>
    %jit3A_372 = arith.constant 0.135335281 : f32
    %jit3A_373 = arith.constant 1.000000e+00 : f32
    %broadcast_in_dim3A_374 = vector.broadcast %jit3A_372 : f32 to vector<16xf32>
    %broadcast_in_dim3A_375 = vector.broadcast %jit3A_373 : f32 to vector<16xf32>
    %select_n3A_376 = arith.select %eq3A_371, %broadcast_in_dim3A_374, %broadcast_in_dim3A_375 : vector<16xi1>, vector<16xf32>
    %mul3A_377 = arith.mulf %select_n3A_368, %add3A_333 : vector<16xf32>
    %mul3A_378 = arith.mulf %select_n3A_376, %add3A_345 : vector<16xf32>
    %add3A_379 = arith.addf %mul3A_377, %mul3A_378 : vector<16xf32>
    %mul3A_380 = arith.mulf %select_n3A_368, %add3A_336 : vector<16xf32>
    %mul3A_381 = arith.mulf %select_n3A_376, %add3A_348 : vector<16xf32>
    %add3A_382 = arith.addf %mul3A_380, %mul3A_381 : vector<16xf32>
    %mul3A_383 = arith.mulf %select_n3A_368, %add3A_339 : vector<16xf32>
    %mul3A_384 = arith.mulf %select_n3A_376, %add3A_351 : vector<16xf32>
    %add3A_385 = arith.addf %mul3A_383, %mul3A_384 : vector<16xf32>
    %mul3A_386 = arith.mulf %select_n3A_368, %add3A_342 : vector<16xf32>
    %mul3A_387 = arith.mulf %select_n3A_376, %add3A_354 : vector<16xf32>
    %add3A_388 = arith.addf %mul3A_386, %mul3A_387 : vector<16xf32>
    %shift_right_arithmetic3A_389 = arith.constant 5 : i32
    %shift_right_arithmetic3A_390 = vector.broadcast %shift_right_arithmetic3A_389 : i32 to vector<16xi32>
    %shift_right_arithmetic3A_391 = arith.shrsi %get3A_3, %shift_right_arithmetic3A_390 : vector<16xi32>
    %and3A_392 = arith.constant 1 : i32
    %and3A_393 = vector.broadcast %and3A_392 : i32 to vector<16xi32>
    %and3A_394 = arith.andi %shift_right_arithmetic3A_391, %and3A_393 : vector<16xi32>
    %eq3A_395 = arith.constant 0 : i32
    %eq3A_396 = vector.broadcast %eq3A_395 : i32 to vector<16xi32>
    %eq3A_397 = arith.cmpi eq, %and3A_394, %eq3A_396 : vector<16xi32>
    %jit3A_398 = arith.constant 1.000000e+00 : f32
    %jit3A_399 = arith.constant 0.135335281 : f32
    %broadcast_in_dim3A_400 = vector.broadcast %jit3A_398 : f32 to vector<16xf32>
    %broadcast_in_dim3A_401 = vector.broadcast %jit3A_399 : f32 to vector<16xf32>
    %select_n3A_402 = arith.select %eq3A_397, %broadcast_in_dim3A_400, %broadcast_in_dim3A_401 : vector<16xi1>, vector<16xf32>
    %eq3A_403 = arith.constant 0 : i32
    %eq3A_404 = vector.broadcast %eq3A_403 : i32 to vector<16xi32>
    %eq3A_405 = arith.cmpi eq, %and3A_394, %eq3A_404 : vector<16xi32>
    %jit3A_406 = arith.constant 0.135335281 : f32
    %jit3A_407 = arith.constant 1.000000e+00 : f32
    %broadcast_in_dim3A_408 = vector.broadcast %jit3A_406 : f32 to vector<16xf32>
    %broadcast_in_dim3A_409 = vector.broadcast %jit3A_407 : f32 to vector<16xf32>
    %select_n3A_410 = arith.select %eq3A_405, %broadcast_in_dim3A_408, %broadcast_in_dim3A_409 : vector<16xi1>, vector<16xf32>
    %mul3A_411 = arith.mulf %select_n3A_402, %add3A_379 : vector<16xf32>
    %mul3A_412 = arith.mulf %select_n3A_410, %add3A_385 : vector<16xf32>
    %add3A_413 = arith.addf %mul3A_411, %mul3A_412 : vector<16xf32>
    %mul3A_414 = arith.mulf %select_n3A_402, %add3A_382 : vector<16xf32>
    %mul3A_415 = arith.mulf %select_n3A_410, %add3A_388 : vector<16xf32>
    %add3A_416 = arith.addf %mul3A_414, %mul3A_415 : vector<16xf32>
    %shift_right_arithmetic3A_417 = arith.constant 4 : i32
    %shift_right_arithmetic3A_418 = vector.broadcast %shift_right_arithmetic3A_417 : i32 to vector<16xi32>
    %shift_right_arithmetic3A_419 = arith.shrsi %get3A_3, %shift_right_arithmetic3A_418 : vector<16xi32>
    %and3A_420 = arith.constant 1 : i32
    %and3A_421 = vector.broadcast %and3A_420 : i32 to vector<16xi32>
    %and3A_422 = arith.andi %shift_right_arithmetic3A_419, %and3A_421 : vector<16xi32>
    %eq3A_423 = arith.constant 0 : i32
    %eq3A_424 = vector.broadcast %eq3A_423 : i32 to vector<16xi32>
    %eq3A_425 = arith.cmpi eq, %and3A_422, %eq3A_424 : vector<16xi32>
    %jit3A_426 = arith.constant 1.000000e+00 : f32
    %jit3A_427 = arith.constant 0.135335281 : f32
    %broadcast_in_dim3A_428 = vector.broadcast %jit3A_426 : f32 to vector<16xf32>
    %broadcast_in_dim3A_429 = vector.broadcast %jit3A_427 : f32 to vector<16xf32>
    %select_n3A_430 = arith.select %eq3A_425, %broadcast_in_dim3A_428, %broadcast_in_dim3A_429 : vector<16xi1>, vector<16xf32>
    %eq3A_431 = arith.constant 0 : i32
    %eq3A_432 = vector.broadcast %eq3A_431 : i32 to vector<16xi32>
    %eq3A_433 = arith.cmpi eq, %and3A_422, %eq3A_432 : vector<16xi32>
    %jit3A_434 = arith.constant 0.135335281 : f32
    %jit3A_435 = arith.constant 1.000000e+00 : f32
    %broadcast_in_dim3A_436 = vector.broadcast %jit3A_434 : f32 to vector<16xf32>
    %broadcast_in_dim3A_437 = vector.broadcast %jit3A_435 : f32 to vector<16xf32>
    %select_n3A_438 = arith.select %eq3A_433, %broadcast_in_dim3A_436, %broadcast_in_dim3A_437 : vector<16xi1>, vector<16xf32>
    %mul3A_439 = arith.mulf %select_n3A_430, %add3A_413 : vector<16xf32>
    %mul3A_440 = arith.mulf %select_n3A_438, %add3A_416 : vector<16xf32>
    %add3A_441 = arith.addf %mul3A_439, %mul3A_440 : vector<16xf32>
    %mul3A_442 = arith.mulf %add3A_441, %mul3A_141 : vector<16xf32>
    %swap3A = arith.constant 0 : i32
    %swap3A_443 = arith.index_cast %swap3A : i32 to index
    %swap3A_444 = arith.constant 0 : index
    %swap3A_445 = tpu.vector_load %arg7[%swap3A_443, %swap3A_444] {strides = array<i32>} : memref<1x16xf32, #tpu.memory_space<vmem>>, vector<1x16xf32>,
    %swap3A_446 = vector.shape_cast %swap3A_445 : vector<1x16xf32> to vector<16xf32>
    %swap3A_447 = vector.shape_cast %mul3A_442 : vector<16xf32> to vector<1x16xf32>
    tpu.vector_store %arg7[%swap3A_443, %swap3A_444], %swap3A_447 {strides = array<i32>} : memref<1x16xf32, #tpu.memory_space<vmem>>, vector<1x16xf32>,
    %run_scoped3A = arith.constant 0 : i32
    "tpu.region"() ({
      %run_scoped3A_451 = tpu.sem_alloc : memref<!tpu.dma_semaphore, #tpu.memory_space<semaphore_mem>>
      %dma_start3A_452 = arith.constant 0 : i32
      %dma_start3A_453 = tpu.memref_slice %arg7[%run_scoped3A, %dma_start3A_452] : memref<1x16xf32, #tpu.memory_space<vmem>> -> memref<1x16xf32, #tpu.memory_space<vmem>>
      %dma_start3A_454 = tpu.memref_squeeze %dma_start3A_453 : memref<1x16xf32, #tpu.memory_space<vmem>> -> memref<16xf32, #tpu.memory_space<vmem>>
      %dma_start3A_455 = arith.constant 0 : i32
      %dma_start3A_456 = tpu.memref_slice %arg8[%arg1, %dma_start3A_455] : memref<16x16xf32, #tpu.memory_space<hbm>> -> memref<1x16xf32, #tpu.memory_space<hbm>>
      %dma_start3A_457 = tpu.memref_squeeze %dma_start3A_456 : memref<1x16xf32, #tpu.memory_space<hbm>> -> memref<16xf32, #tpu.memory_space<hbm>>
      %dma_start3A_458 = arith.constant 0 : i32
      %dma_start3A_459 = tpu.memref_slice %arg8[%arg1, %dma_start3A_458] : memref<16x16xf32, #tpu.memory_space<hbm>> -> memref<1x16xf32, #tpu.memory_space<hbm>>
      %dma_start3A_460 = tpu.memref_squeeze %dma_start3A_459 : memref<1x16xf32, #tpu.memory_space<hbm>> -> memref<16xf32, #tpu.memory_space<hbm>>
      %dma_start3A_461 = arith.constant 0 : i32
      %dma_start3A_462 = tpu.memref_slice %arg7[%run_scoped3A, %dma_start3A_461] : memref<1x16xf32, #tpu.memory_space<vmem>> -> memref<1x16xf32, #tpu.memory_space<vmem>>
      %dma_start3A_463 = tpu.memref_squeeze %dma_start3A_462 : memref<1x16xf32, #tpu.memory_space<vmem>> -> memref<16xf32, #tpu.memory_space<vmem>>
      tpu.enqueue_dma source(%dma_start3A_463 : memref<16xf32, #tpu.memory_space<vmem>>) target(%dma_start3A_460 : memref<16xf32, #tpu.memory_space<hbm>>) target_semaphore(%run_scoped3A_451 : memref<!tpu.dma_semaphore, #tpu.memory_space<semaphore_mem>>)
      %dma_wait3A_464 = arith.constant 0 : i32
      %dma_wait3A_465 = tpu.memref_slice %arg7[%run_scoped3A, %dma_wait3A_464] : memref<1x16xf32, #tpu.memory_space<vmem>> -> memref<1x16xf32, #tpu.memory_space<vmem>>
      %dma_wait3A_466 = tpu.memref_squeeze %dma_wait3A_465 : memref<1x16xf32, #tpu.memory_space<vmem>> -> memref<16xf32, #tpu.memory_space<vmem>>
      %dma_wait3A_467 = arith.constant 0 : i32
      %dma_wait3A_468 = tpu.memref_slice %arg8[%arg1, %dma_wait3A_467] : memref<16x16xf32, #tpu.memory_space<hbm>> -> memref<1x16xf32, #tpu.memory_space<hbm>>
      %dma_wait3A_469 = tpu.memref_squeeze %dma_wait3A_468 : memref<1x16xf32, #tpu.memory_space<hbm>> -> memref<16xf32, #tpu.memory_space<hbm>>
      %dma_wait3A_470 = arith.constant 0 : i32
      %dma_wait3A_471 = tpu.memref_slice %arg8[%arg1, %dma_wait3A_470] : memref<16x16xf32, #tpu.memory_space<hbm>> -> memref<1x16xf32, #tpu.memory_space<hbm>>
      %dma_wait3A_472 = tpu.memref_squeeze %dma_wait3A_471 : memref<1x16xf32, #tpu.memory_space<hbm>> -> memref<16xf32, #tpu.memory_space<hbm>>
      %dma_wait3A_473 = arith.constant 0 : i32
      %dma_wait3A_474 = tpu.memref_slice %arg7[%run_scoped3A, %dma_wait3A_473] : memref<1x16xf32, #tpu.memory_space<vmem>> -> memref<1x16xf32, #tpu.memory_space<vmem>>
      %dma_wait3A_475 = tpu.memref_squeeze %dma_wait3A_474 : memref<1x16xf32, #tpu.memory_space<vmem>> -> memref<16xf32, #tpu.memory_space<vmem>>
      tpu.wait_dma2 semaphore(%run_scoped3A_451 : memref<!tpu.dma_semaphore, #tpu.memory_space<semaphore_mem>>) src(%dma_wait3A_475 : memref<16xf32, #tpu.memory_space<vmem>>) dst(%dma_wait3A_472 : memref<16xf32, #tpu.memory_space<hbm>>)
      tpu.yield
    }) : () -> ()
    %barrier3A = arith.constant 0 : index
    tpu.barrier barrier_id(%barrier3A)
    %eq3A_448 = arith.constant 0 : i32
    %eq3A_449 = arith.cmpi eq, %arg1, %eq3A_448 : i32
    %convert_element_type3A = arith.extui %eq3A_449 : i1 to i32
    %cond3A = arith.constant 0 : i32
    %cond3A_450 = arith.cmpi ne, %convert_element_type3A, %cond3A : i32
    scf.if %cond3A_450 {
      "tpu.region"() ({
        %run_scoped3A_581 = tpu.sem_alloc : memref<!tpu.dma_semaphore, #tpu.memory_space<semaphore_mem>>
        tpu.enqueue_dma source(%arg8 : memref<16x16xf32, #tpu.memory_space<hbm>>) target(%arg9 : memref<16x16xf32, #tpu.memory_space<vmem>>) target_semaphore(%run_scoped3A_581 : memref<!tpu.dma_semaphore, #tpu.memory_space<semaphore_mem>>)
        tpu.wait_dma2 semaphore(%run_scoped3A_581 : memref<!tpu.dma_semaphore, #tpu.memory_space<semaphore_mem>>) src(%arg8 : memref<16x16xf32, #tpu.memory_space<hbm>>) dst(%arg9 : memref<16x16xf32, #tpu.memory_space<vmem>>)
        tpu.yield
      }) : () -> ()
      %get3A_451 = arith.constant 0 : i32
      %get3A_452 = arith.index_cast %get3A_451 : i32 to index
      %get3A_453 = arith.constant 0 : index
      %get3A_454 = tpu.vector_load %arg9[%get3A_452, %get3A_453] {strides = array<i32>} : memref<16x16xf32, #tpu.memory_space<vmem>>, vector<1x16xf32>,
      %get3A_455 = vector.shape_cast %get3A_454 : vector<1x16xf32> to vector<16xf32>
      %get3A_456 = arith.constant 1 : i32
      %get3A_457 = arith.index_cast %get3A_456 : i32 to index
      %get3A_458 = arith.constant 0 : index
      %get3A_459 = tpu.vector_load %arg9[%get3A_457, %get3A_458] {strides = array<i32>} : memref<16x16xf32, #tpu.memory_space<vmem>>, vector<1x16xf32>,
      %get3A_460 = vector.shape_cast %get3A_459 : vector<1x16xf32> to vector<16xf32>
      %add3A_461 = arith.addf %get3A_455, %get3A_460 : vector<16xf32>
      %get3A_462 = arith.constant 2 : i32
      %get3A_463 = arith.index_cast %get3A_462 : i32 to index
      %get3A_464 = arith.constant 0 : index
      %get3A_465 = tpu.vector_load %arg9[%get3A_463, %get3A_464] {strides = array<i32>} : memref<16x16xf32, #tpu.memory_space<vmem>>, vector<1x16xf32>,
      %get3A_466 = vector.shape_cast %get3A_465 : vector<1x16xf32> to vector<16xf32>
      %add3A_467 = arith.addf %add3A_461, %get3A_466 : vector<16xf32>
      %get3A_468 = arith.constant 3 : i32
      %get3A_469 = arith.index_cast %get3A_468 : i32 to index
      %get3A_470 = arith.constant 0 : index
      %get3A_471 = tpu.vector_load %arg9[%get3A_469, %get3A_470] {strides = array<i32>} : memref<16x16xf32, #tpu.memory_space<vmem>>, vector<1x16xf32>,
      %get3A_472 = vector.shape_cast %get3A_471 : vector<1x16xf32> to vector<16xf32>
      %add3A_473 = arith.addf %add3A_467, %get3A_472 : vector<16xf32>
      %get3A_474 = arith.constant 4 : i32
      %get3A_475 = arith.index_cast %get3A_474 : i32 to index
      %get3A_476 = arith.constant 0 : index
      %get3A_477 = tpu.vector_load %arg9[%get3A_475, %get3A_476] {strides = array<i32>} : memref<16x16xf32, #tpu.memory_space<vmem>>, vector<1x16xf32>,
      %get3A_478 = vector.shape_cast %get3A_477 : vector<1x16xf32> to vector<16xf32>
      %add3A_479 = arith.addf %add3A_473, %get3A_478 : vector<16xf32>
      %get3A_480 = arith.constant 5 : i32
      %get3A_481 = arith.index_cast %get3A_480 : i32 to index
      %get3A_482 = arith.constant 0 : index
      %get3A_483 = tpu.vector_load %arg9[%get3A_481, %get3A_482] {strides = array<i32>} : memref<16x16xf32, #tpu.memory_space<vmem>>, vector<1x16xf32>,
      %get3A_484 = vector.shape_cast %get3A_483 : vector<1x16xf32> to vector<16xf32>
      %add3A_485 = arith.addf %add3A_479, %get3A_484 : vector<16xf32>
      %get3A_486 = arith.constant 6 : i32
      %get3A_487 = arith.index_cast %get3A_486 : i32 to index
      %get3A_488 = arith.constant 0 : index
      %get3A_489 = tpu.vector_load %arg9[%get3A_487, %get3A_488] {strides = array<i32>} : memref<16x16xf32, #tpu.memory_space<vmem>>, vector<1x16xf32>,
      %get3A_490 = vector.shape_cast %get3A_489 : vector<1x16xf32> to vector<16xf32>
      %add3A_491 = arith.addf %add3A_485, %get3A_490 : vector<16xf32>
      %get3A_492 = arith.constant 7 : i32
      %get3A_493 = arith.index_cast %get3A_492 : i32 to index
      %get3A_494 = arith.constant 0 : index
      %get3A_495 = tpu.vector_load %arg9[%get3A_493, %get3A_494] {strides = array<i32>} : memref<16x16xf32, #tpu.memory_space<vmem>>, vector<1x16xf32>,
      %get3A_496 = vector.shape_cast %get3A_495 : vector<1x16xf32> to vector<16xf32>
      %add3A_497 = arith.addf %add3A_491, %get3A_496 : vector<16xf32>
      %get3A_498 = arith.constant 8 : i32
      %get3A_499 = arith.index_cast %get3A_498 : i32 to index
      %get3A_500 = arith.constant 0 : index
      %get3A_501 = tpu.vector_load %arg9[%get3A_499, %get3A_500] {strides = array<i32>} : memref<16x16xf32, #tpu.memory_space<vmem>>, vector<1x16xf32>,
      %get3A_502 = vector.shape_cast %get3A_501 : vector<1x16xf32> to vector<16xf32>
      %add3A_503 = arith.addf %add3A_497, %get3A_502 : vector<16xf32>
      %get3A_504 = arith.constant 9 : i32
      %get3A_505 = arith.index_cast %get3A_504 : i32 to index
      %get3A_506 = arith.constant 0 : index
      %get3A_507 = tpu.vector_load %arg9[%get3A_505, %get3A_506] {strides = array<i32>} : memref<16x16xf32, #tpu.memory_space<vmem>>, vector<1x16xf32>,
      %get3A_508 = vector.shape_cast %get3A_507 : vector<1x16xf32> to vector<16xf32>
      %add3A_509 = arith.addf %add3A_503, %get3A_508 : vector<16xf32>
      %get3A_510 = arith.constant 10 : i32
      %get3A_511 = arith.index_cast %get3A_510 : i32 to index
      %get3A_512 = arith.constant 0 : index
      %get3A_513 = tpu.vector_load %arg9[%get3A_511, %get3A_512] {strides = array<i32>} : memref<16x16xf32, #tpu.memory_space<vmem>>, vector<1x16xf32>,
      %get3A_514 = vector.shape_cast %get3A_513 : vector<1x16xf32> to vector<16xf32>
      %add3A_515 = arith.addf %add3A_509, %get3A_514 : vector<16xf32>
      %get3A_516 = arith.constant 11 : i32
      %get3A_517 = arith.index_cast %get3A_516 : i32 to index
      %get3A_518 = arith.constant 0 : index
      %get3A_519 = tpu.vector_load %arg9[%get3A_517, %get3A_518] {strides = array<i32>} : memref<16x16xf32, #tpu.memory_space<vmem>>, vector<1x16xf32>,
      %get3A_520 = vector.shape_cast %get3A_519 : vector<1x16xf32> to vector<16xf32>
      %add3A_521 = arith.addf %add3A_515, %get3A_520 : vector<16xf32>
      %get3A_522 = arith.constant 12 : i32
      %get3A_523 = arith.index_cast %get3A_522 : i32 to index
      %get3A_524 = arith.constant 0 : index
      %get3A_525 = tpu.vector_load %arg9[%get3A_523, %get3A_524] {strides = array<i32>} : memref<16x16xf32, #tpu.memory_space<vmem>>, vector<1x16xf32>,
      %get3A_526 = vector.shape_cast %get3A_525 : vector<1x16xf32> to vector<16xf32>
      %add3A_527 = arith.addf %add3A_521, %get3A_526 : vector<16xf32>
      %get3A_528 = arith.constant 13 : i32
      %get3A_529 = arith.index_cast %get3A_528 : i32 to index
      %get3A_530 = arith.constant 0 : index
      %get3A_531 = tpu.vector_load %arg9[%get3A_529, %get3A_530] {strides = array<i32>} : memref<16x16xf32, #tpu.memory_space<vmem>>, vector<1x16xf32>,
      %get3A_532 = vector.shape_cast %get3A_531 : vector<1x16xf32> to vector<16xf32>
      %add3A_533 = arith.addf %add3A_527, %get3A_532 : vector<16xf32>
      %get3A_534 = arith.constant 14 : i32
      %get3A_535 = arith.index_cast %get3A_534 : i32 to index
      %get3A_536 = arith.constant 0 : index
      %get3A_537 = tpu.vector_load %arg9[%get3A_535, %get3A_536] {strides = array<i32>} : memref<16x16xf32, #tpu.memory_space<vmem>>, vector<1x16xf32>,
      %get3A_538 = vector.shape_cast %get3A_537 : vector<1x16xf32> to vector<16xf32>
      %add3A_539 = arith.addf %add3A_533, %get3A_538 : vector<16xf32>
      %get3A_540 = arith.constant 15 : i32
      %get3A_541 = arith.index_cast %get3A_540 : i32 to index
      %get3A_542 = arith.constant 0 : index
      %get3A_543 = tpu.vector_load %arg9[%get3A_541, %get3A_542] {strides = array<i32>} : memref<16x16xf32, #tpu.memory_space<vmem>>, vector<1x16xf32>,
      %get3A_544 = vector.shape_cast %get3A_543 : vector<1x16xf32> to vector<16xf32>
      %add3A_545 = arith.addf %add3A_539, %get3A_544 : vector<16xf32>
      %iota3A_546 = tpu.iota {dimensions = array<i32: 0>} : vector<16xi32>
      %xor3A_547 = arith.constant 8 : i32
      %xor3A_548 = vector.broadcast %xor3A_547 : i32 to vector<16xi32>
      %xor3A_549 = arith.xori %iota3A_546, %xor3A_548 : vector<16xi32>
      %broadcast_in_dim3A_550 = vector.shape_cast %xor3A_549 : vector<16xi32> to vector<16x1xi32>
      %gather3A = vector.shape_cast %broadcast_in_dim3A_550 : vector<16x1xi32> to vector<16xi32>
      %gather3A_551 = tpu.dynamic_gather %add3A_545[%gather3A] in [0] : vector<16xf32>, vector<16xi32> -> vector<16xf32>
      %add3A_552 = arith.addf %add3A_545, %gather3A_551 : vector<16xf32>
      %xor3A_553 = arith.constant 4 : i32
      %xor3A_554 = vector.broadcast %xor3A_553 : i32 to vector<16xi32>
      %xor3A_555 = arith.xori %iota3A_546, %xor3A_554 : vector<16xi32>
      %broadcast_in_dim3A_556 = vector.shape_cast %xor3A_555 : vector<16xi32> to vector<16x1xi32>
      %gather3A_557 = vector.shape_cast %broadcast_in_dim3A_556 : vector<16x1xi32> to vector<16xi32>
      %gather3A_558 = tpu.dynamic_gather %add3A_552[%gather3A_557] in [0] : vector<16xf32>, vector<16xi32> -> vector<16xf32>
      %add3A_559 = arith.addf %add3A_552, %gather3A_558 : vector<16xf32>
      %xor3A_560 = arith.constant 2 : i32
      %xor3A_561 = vector.broadcast %xor3A_560 : i32 to vector<16xi32>
      %xor3A_562 = arith.xori %iota3A_546, %xor3A_561 : vector<16xi32>
      %broadcast_in_dim3A_563 = vector.shape_cast %xor3A_562 : vector<16xi32> to vector<16x1xi32>
      %gather3A_564 = vector.shape_cast %broadcast_in_dim3A_563 : vector<16x1xi32> to vector<16xi32>
      %gather3A_565 = tpu.dynamic_gather %add3A_559[%gather3A_564] in [0] : vector<16xf32>, vector<16xi32> -> vector<16xf32>
      %add3A_566 = arith.addf %add3A_559, %gather3A_565 : vector<16xf32>
      %xor3A_567 = arith.constant 1 : i32
      %xor3A_568 = vector.broadcast %xor3A_567 : i32 to vector<16xi32>
      %xor3A_569 = arith.xori %iota3A_546, %xor3A_568 : vector<16xi32>
      %broadcast_in_dim3A_570 = vector.shape_cast %xor3A_569 : vector<16xi32> to vector<16x1xi32>
      %gather3A_571 = vector.shape_cast %broadcast_in_dim3A_570 : vector<16x1xi32> to vector<16xi32>
      %gather3A_572 = tpu.dynamic_gather %add3A_566[%gather3A_571] in [0] : vector<16xf32>, vector<16xi32> -> vector<16xf32>
      %add3A_573 = arith.addf %add3A_566, %gather3A_572 : vector<16xf32>
      %swap3A_574 = arith.constant 0 : i32
      %swap3A_575 = arith.index_cast %swap3A_574 : i32 to index
      %swap3A_576 = arith.constant 0 : index
      %swap3A_577 = tpu.vector_load %arg7[%swap3A_575, %swap3A_576] {strides = array<i32>} : memref<1x16xf32, #tpu.memory_space<vmem>>, vector<1x16xf32>,
      %swap3A_578 = vector.shape_cast %swap3A_577 : vector<1x16xf32> to vector<16xf32>
      %swap3A_579 = vector.shape_cast %add3A_573 : vector<16xf32> to vector<1x16xf32>
      tpu.vector_store %arg7[%swap3A_575, %swap3A_576], %swap3A_579 {strides = array<i32>} : memref<1x16xf32, #tpu.memory_space<vmem>>, vector<1x16xf32>,
      %run_scoped3A_580 = arith.constant 0 : i32
      "tpu.region"() ({
        %run_scoped3A_581 = tpu.sem_alloc : memref<!tpu.dma_semaphore, #tpu.memory_space<semaphore_mem>>
        %dma_start3A_582 = arith.constant 0 : i32
        %dma_start3A_583 = tpu.memref_slice %arg7[%run_scoped3A_580, %dma_start3A_582] : memref<1x16xf32, #tpu.memory_space<vmem>> -> memref<1x16xf32, #tpu.memory_space<vmem>>
        %dma_start3A_584 = tpu.memref_squeeze %dma_start3A_583 : memref<1x16xf32, #tpu.memory_space<vmem>> -> memref<16xf32, #tpu.memory_space<vmem>>
        %dma_start3A_585 = arith.constant 0 : i32
        %dma_start3A_586 = tpu.memref_slice %arg7[%run_scoped3A_580, %dma_start3A_585] : memref<1x16xf32, #tpu.memory_space<vmem>> -> memref<1x16xf32, #tpu.memory_space<vmem>>
        %dma_start3A_587 = tpu.memref_squeeze %dma_start3A_586 : memref<1x16xf32, #tpu.memory_space<vmem>> -> memref<16xf32, #tpu.memory_space<vmem>>
        tpu.enqueue_dma source(%dma_start3A_587 : memref<16xf32, #tpu.memory_space<vmem>>) target(%arg4 : memref<16xf32, #tpu.memory_space<hbm>>) target_semaphore(%run_scoped3A_581 : memref<!tpu.dma_semaphore, #tpu.memory_space<semaphore_mem>>)
        %dma_wait3A_588 = arith.constant 0 : i32
        %dma_wait3A_589 = tpu.memref_slice %arg7[%run_scoped3A_580, %dma_wait3A_588] : memref<1x16xf32, #tpu.memory_space<vmem>> -> memref<1x16xf32, #tpu.memory_space<vmem>>
        %dma_wait3A_590 = tpu.memref_squeeze %dma_wait3A_589 : memref<1x16xf32, #tpu.memory_space<vmem>> -> memref<16xf32, #tpu.memory_space<vmem>>
        %dma_wait3A_591 = arith.constant 0 : i32
        %dma_wait3A_592 = tpu.memref_slice %arg7[%run_scoped3A_580, %dma_wait3A_591] : memref<1x16xf32, #tpu.memory_space<vmem>> -> memref<1x16xf32, #tpu.memory_space<vmem>>
        %dma_wait3A_593 = tpu.memref_squeeze %dma_wait3A_592 : memref<1x16xf32, #tpu.memory_space<vmem>> -> memref<16xf32, #tpu.memory_space<vmem>>
        tpu.wait_dma2 semaphore(%run_scoped3A_581 : memref<!tpu.dma_semaphore, #tpu.memory_space<semaphore_mem>>) src(%dma_wait3A_593 : memref<16xf32, #tpu.memory_space<vmem>>) dst(%arg4 : memref<16xf32, #tpu.memory_space<hbm>>)
        tpu.yield
      }) : () -> ()
    } else {
    }
    return
  }
}

</mosaic_0001>

<sc_bundles>
// kernel: kernel.3.cloned.1.call-start
scs
__scs_entry_jumppad:
0x0: {  	(pc) =	sbr.rel $0x88, $3  }
0x1: {  	(tag) =	ssettag $0x0;
	lr =	simm.s32 $0x1  }
0x2: {  	[smem:$0x3F9F] =	sst lr;
	_ =	strace $0xD0000000  }
0x3: {  	_ = 	snop  }
0x4: {  	_ = 	snop  }
0x5: {  	_ = 	snop  }
0x6: {  	_ = 	snop  }
0x7: {  	_ = 	snop  }
__scs_overlays_trampoline_lowered:
0x8: {  	[smem:$0x3FAE] =	sst s0  }
0x9: {  	[smem:$0x3FAF] =	sst s1  }
0xa: {  	[smem:$0x3FB0] =	sst s2  }
0xb: {  	[smem:$0x3FB1] =	sst s3  }
0xc: {  	[smem:$0x3FB2] =	sst s4  }
0xd: {  	[smem:$0x3FB3] =	sst s5  }
0xe: {  	[smem:$0x3FB4] =	sst s6  }
0xf: {  	[smem:$0x3FB5] =	sst s7  }
0x10: {  	[smem:$0x3FB6] =	sst s8  }
0x11: {  	[smem:$0x3FB7] =	sst s9;
	s0 =	simm.s32 @!p0 $0x0  }
0x12: {  	s1 =	sld [smem:$0x3F9D];
	s0 =	simm.s32 @p0 $0x1  }
0x13: {  	[smem:$0x3FB8] =	sst s0;
	s0 =	simm.s32 @!p1 $0x0  }
0x14: {  	s2 =	sld [smem:$0x3F9C];
	s0 =	simm.s32 @p1 $0x1  }
0x15: {  	[smem:$0x3FB9] =	sst s0;
	s0 =	simm.s32 @!p2 $0x0  }
0x16: {  	s3 =	sld [smem:$0x3FDB];
	s0 =	simm.s32 @p2 $0x1  }
0x17: {  	s4 =	simm.s32 $0x1BF5;
	[smem:$0x3FBB] =	sst s0  }
0x18: {  	s0 =	sld [smem:$0x3F9E];
	_ =	swait.ge [sflag:s4], $0x0  }
0x19: {  	s7 =	sld [smem:$0x3F9F]  }
0x1a: {  	s8 =	sadd.s32 $0xFFFFE003, lr  }
0x1b: {  	s9 =	sadd.s32 $0xFFFFFEF7, lr;
	s5 =	simm.s32 $0xFFFFFFFF;
	p2 =	slt.u32 s8, $0xFFFFF086  }
0x1c: {  	p1 =	slt.u32 s9, $0xF7A;
	s5 =	simm.s32 @!p2 $0x0  }
0x1d: {  	s5 =	simm.s32 @p1 $0x1;
	p0 =	seq.s32 s7, s2  }
0x1e: {  	s7 =	smul.u32 @!p0 $0xF7A, s2;
	p2 =	seq.s32 @!p0 s5, $0x0  }
0x1f: {  	s9 =	smul.u32 $0xF7A, s1;
	s8 =	simm.s32 @!p0 $0x1BF5;
	p2 =	por !p2, p0  }
0x20: {  	[sflag:s8] =	ssyncset.s32 @!p0 $0xFFFFF086;
	s6 =	sadd.s32 @!p0 s3, s7;
	s7 =	simm.s32 @!p0 $0x108  }
0x21: {  	s3 =	sadd.s32 s3, s9;
	s6 =	sadd.s32 @!p0 $0x88, s6;
	s7 =	simm.s32 @p2 $0x1082  }
0x22: {  	[simem:s7], [sflag:s8] =	dma.local @!p0 [hbm:s6], $0xF7A  }
0x23: {  	s9 =	sor.u32 $0xD0000000, s2;
	s6 =	simm.s32 $0x108;
	_ =	swait.ge @!p0 [sflag:s8], $0x0  }
0x24: {  	s3 =	sadd.s32 $0x88, s3;
	s6 =	simm.s32 @!p1 $0x1082;
	[sflag:s4] =	ssyncset.s32 $0xFFFFF086  }
0x25: {  	[simem:s6], [sflag:s4] =	dma.local [hbm:s3], $0xF7A  }
0x26: {  	[smem:$0x3F9F] =	sst s1;
	(tag) =	ssettag s2;
	_ =	strace s9  }
0x27: {  	s1 =	sld [smem:$0x3FAF]  }
0x28: {  	s2 =	sld [smem:$0x3FB0]  }
0x29: {  	s4 =	sld [smem:$0x3FB2]  }
0x2a: {  	p0 =	seq.s32 s5, $0x0;
	s5 =	sld [smem:$0x3FB3]  }
0x2b: {  	s6 =	sld [smem:$0x3FB4]  }
0x2c: {  	s7 =	sld [smem:$0x3FB5]  }
0x2d: {  	s3 =	simm.s32 $0x108;
	s8 =	sld [smem:$0x3FB6]  }
0x2e: {  	s3 =	simm.s32 @!p0 $0x1082;
	s9 =	sld [smem:$0x3FB7]  }
0x2f: {  	lr =	sadd.s32 s0, s3;
	s0 =	sld [smem:$0x3FAE]  }
0x30: {  	s3 =	sld [smem:$0x3FB1]  }
0x31: {  	[smem:$0x3FBA] =	sst s10  }
0x32: {  	s10 =	sld [smem:$0x3FB8];
	_ =	sdelay $0x3  }
0x33: {  	p0 =	seq.s32 s10, $0x1;
	s10 =	sld [smem:$0x3FBA];
	_ =	sdelay $0x3  }
0x34: {  	[smem:$0x3FBA] =	sst s10  }
0x35: {  	s10 =	sld [smem:$0x3FB9];
	_ =	sdelay $0x3  }
0x36: {  	p1 =	seq.s32 s10, $0x1;
	s10 =	sld [smem:$0x3FBA];
	_ =	sdelay $0x3  }
0x37: {  	[smem:$0x3FBA] =	sst s10  }
0x38: {  	s10 =	sld [smem:$0x3FBB]  }
0x39: {  	_ = 	snop;
	(pc) =	sbr.ind lr, $3  }
0x3a: {  	_ = 	snop  }
0x3b: {  	_ = 	snop  }
0x3c: {  	p2 =	seq.s32 s10, $0x1;
	s10 =	sld [smem:$0x3FBA]  }
0x3d: {  	_ =	shalt  }
0x3e: {  	_ =	shalt  }
0x3f: {  	_ =	shalt  }
0x40: {  	_ =	shalt  }
0x41: {  	_ =	shalt  }
0x42: {  	_ =	shalt  }
0x43: {  	_ =	shalt  }
0x44: {  	_ =	shalt  }
0x45: {  	_ =	shalt  }
0x46: {  	_ =	shalt  }
0x47: {  	_ =	shalt  }
0x48: {  	_ =	shalt  }
0x49: {  	_ =	shalt  }
0x4a: {  	_ =	shalt  }
0x4b: {  	_ =	shalt  }
0x4c: {  	_ =	shalt  }
0x4d: {  	_ =	shalt  }
0x4e: {  	_ =	shalt  }
0x4f: {  	_ =	shalt  }
0x50: {  	_ =	shalt  }
0x51: {  	_ =	shalt  }
0x52: {  	_ =	shalt  }
0x53: {  	_ =	shalt  }
0x54: {  	_ =	shalt  }
0x55: {  	_ =	shalt  }
0x56: {  	_ =	shalt  }
0x57: {  	_ =	shalt  }
0x58: {  	_ =	shalt  }
0x59: {  	_ =	shalt  }
0x5a: {  	_ =	shalt  }
0x5b: {  	_ =	shalt  }
0x5c: {  	_ =	shalt  }
0x5d: {  	_ =	shalt  }
0x5e: {  	_ =	shalt  }
0x5f: {  	_ =	shalt  }
0x60: {  	_ =	shalt  }
0x61: {  	_ =	shalt  }
0x62: {  	_ =	shalt  }
0x63: {  	_ =	shalt  }
0x64: {  	_ =	shalt  }
0x65: {  	_ =	shalt  }
0x66: {  	_ =	shalt  }
0x67: {  	_ =	shalt  }
0x68: {  	_ =	shalt  }
0x69: {  	_ =	shalt  }
0x6a: {  	_ =	shalt  }
0x6b: {  	_ =	shalt  }
0x6c: {  	_ =	shalt  }
0x6d: {  	_ =	shalt  }
0x6e: {  	_ =	shalt  }
0x6f: {  	_ =	shalt  }
0x70: {  	_ =	shalt  }
0x71: {  	_ =	shalt  }
0x72: {  	_ =	shalt  }
0x73: {  	_ =	shalt  }
0x74: {  	_ =	shalt  }
0x75: {  	_ =	shalt  }
0x76: {  	_ =	shalt  }
0x77: {  	_ =	shalt  }
0x78: {  	_ =	shalt  }
0x79: {  	_ =	shalt  }
0x7a: {  	_ =	shalt  }
0x7b: {  	_ =	shalt  }
0x7c: {  	_ =	shalt  }
0x7d: {  	_ =	shalt  }
0x7e: {  	_ =	shalt  }
0x7f: {  	_ =	shalt  }
0x80: {  	_ =	shalt  }
0x81: {  	_ =	shalt  }
0x82: {  	_ =	shalt  }
0x83: {  	_ =	shalt  }
0x84: {  	_ =	shalt  }
0x85: {  	_ =	shalt  }
0x86: {  	_ =	shalt  }
0x87: {  	_ =	shalt  }
.Lfunc_end0:
.L_simem_size_0:
called_computation_lowered:
.L_overlay_start_0:
0x88: {  	s0 =	sld [smem:$0x3FD9]  }
0x89: {  	s1 =	sld [smem:$0x3FFE];
	_ =	sdelay $0x3  }
0x8a: {  	s0 =	sadd.s32 s1, s0  }
0x8b: {  	[smem:$0x3FC6] =	sst s0  }
0x8c: {  	_ = 	snop  }
0x8d: {  	s16 =	sld [smem:$0x3FC8]  }
0x8e: {  	s2 =	sld [smem:$0x3FD0];
	(tm) =	ssettm $0x1  }
0x8f: {  	s3 =	sld [smem:$0x3FFB];
	_ =	sdelay $0x3  }
0x90: {  	_ =	strace s3  }
0x91: {  	s3 =	sld [smem:$0x3FFC];
	_ =	sdelay $0x3  }
0x92: {  	_ =	strace s3  }
0x93: {  	s3 =	sld [smem:$0x3FFD];
	_ =	sdelay $0x3  }
0x94: {  	_ =	strace s3  }
0x95: {  	_ =	strace $0x8FFFFFFF  }
0x96: {  	s17 =	sld [smem:$0x3FDB];
	_ =	sdelay $0x1  }
0x97: {  	s4 =	simm.s32 $_scs_section_size  }
0x98: {  	s5 =	simm.s32 $_size__tile_overlayer_lowered;
	s6 =	simm.s32 $_tile_overlayer_lowered  }
0x99: {  	s20 =	simm.s32 $0x1BFF;
	s19 =	sshll.u32 s6, $0x1;
	s3 =	sadd.s32 s4, s17  }
0x9a: {  	s7 =	simm.s32 $0x0;
	s18 =	sshll.u32 s5, $0x1;
	s5 =	sadd.s32 s19, s3  }
0x9b: {  	[timem:s7], [sflag:s20] =	dma.local [hbm:s5], s18  }
0x9c: {  	_ =	swait.ge [sflag:s20], s18  }
0x9d: {  	s4 =	ssub.s32 $0x0, s18;
	[sflag:s20] =	ssyncset.done $0x0  }
0x9e: {  	[sflag:s20] =	ssyncadd.s32 s4;
	_ =	sdelay $0x1  }
0x9f: {  	s21 =	simm.s32 $0x1B8B  }
0xa0: {  	_ =	swait.ge [sflag:s21], $0x1  }
0xa1: {  	[sflag:s21] =	ssyncset.done $0x0  }
0xa2: {  	s23 =	simm.s32 $0x1B8E;
	s22 =	sld [smem:$0x3FFE];
	[sflag:s21] =	ssyncadd.s32 $0xFFFFFFFF  }
0xa3: {  	s24 =	simm.s32 $execute0_lowered;
	[smem:$0x3FD2] =	sst s23  }
0xa4: {  	s5 =	sshll.u32 s24, $0x1;
	_ =	strace $0x80000046;
	[dreg:$0x1] =	wrdreg $0xFFFFFFFF  }
0xa5: {  	s25 =	simm.s32 $_size_execute0_lowered;
	s3 =	sadd.s32 s3, s5;
	[dreg:$0x0] =	wrdreg $0x0  }
0xa6: {  	s5 =	sshll.u32 s25, $0x1;
	[dreg:$0x2] =	wrdreg s3  }
0xa7: {  	[dreg:$0x3] =	wrdreg s5  }
0xa8: {  	[dreg:$0x4] =	wrdreg $0xC0  }
0xa9: {  	_ =	task [dreg:s7], $0x5FFFF  }
0xaa: {  	[dreg:$0x1] =	wrdreg $0xFFFFFFFF  }
0xab: {  	[dreg:$0x0] =	wrdreg $0x60  }
0xac: {  	[dreg:$0x2] =	wrdreg s22  }
0xad: {  	[dreg:$0x3] =	wrdreg s16  }
0xae: {  	s0 =	sadd.s32 $0x400, s0;
	[dreg:$0x4] =	wrdreg s2  }
0xaf: {  	[dreg:$0x5] =	wrdreg s0  }
0xb0: {  	[dreg:$0x6] =	wrdreg $0x9  }
0xb1: {  	_ =	task.clear_ibuf [dreg:s7], $0x7FFFF;
	_ =	strace $0x90000046  }
0xb2: {  	s26 =	simm.s32 $0x9;
	_ =	strace $0x80000048  }
0xb3: {  	_ =	swait.ge [sflag:s26], $0x1  }
0xb4: {  	[sflag:s26] =	ssyncadd.s32 $0xFFFFFFFF  }
0xb5: {  	_ =	strace $0x90000048  }
0xb6: {  	_ =	sfence  }
0xb7: {  	s28 =	sld [smem:$0x0];
	_ =	sdelay $0x1  }
0xb8: {  	s29 =	srdreg.scid  }
0xb9: {  	s30 =	sshll.u32 s29, $0xD;
	s31 =	sshrl.u32 s29, $0x2  }
0xba: {  	s1 =	sand.u32 $0x1, s29;
	s2 =	sand.u32 $0x4000, s30;
	s0 =	sadd.s32 s31, s28  }
0xbb: {  	s1 =	sor.u32 s2, s1;
	s0 =	sshll.u32 s0, $0x11  }
0xbc: {  	s0 =	sor.u32 s0, s1  }
0xbd: {  	s0 =	sadd.s32 $0x8F2B, s0  }
0xbe: {  	[sflag:s0] =	ssyncadd.remote.s32 $0x1  }
0xbf: {  	_ =	sfence.sel $0xFFFF  }
0xc0: {  	[dreg:$0x0] =	wrdreg $0xFFFFFFFF;
	(pc) =	sbr.abs _section_cstart, $3  }
0xc1: {  	[dreg:$0x1] =	wrdreg $0xFFFFFFFF  }
0xc2: {  	_ =	task.clear_ibuf [dreg:s7], $0x2FFFF;
	_ =	strace $0x9FFFFFFF  }
0xc3: {  	(tm) =	ssettm $0x7FFFFFFF  }
tec
execute0_lowered:
.L_overlay_start_1:
0x0: {  	(tag) =	ssettag $0x1  }
0x1: {  	s3 =	rddreg [dreg:$0x0]  }
0x2: {  	s6 =	rddreg [dreg:$0x1]  }
0x3: {  	s1 =	rddreg [dreg:$0x2]  }
0x4: {  	s4 =	rddreg [dreg:$0x3];
	s2 =	simm.s32 $0x0;
	s5 =	stileid.u32  }
0x5: {  	[smem:$0x7FF] =	sst s2;
	s7 =	sshll.u32 s5, $0x6  }
0x6: {  	s0 =	rddreg [dreg:$0x4];
	_ =	strace $0x80000047;
	s6 =	sadd.s32 s6, s7  }
0x7: {  	[tilespmem:s2], [sflag:$0x1] =	stream.linear.gather [hbm4b:s6+s2], $0x200, $0x38;
	[tilespmem:$0xB00] =	vst v63  }
0x8: {  	s28 =	simm.s32 $0x200;
	s3 =	sadd.s32 $0x400, s3  }
0x9: {  	[tilespmem:s28], [sflag:$0x2] =	stream.linear.gather [hbm4b:s3+s2], $0x80, $0x38;
	[tilespmem:$0xB00] =	vst v63  }
0xa: {  	s3 =	simm.s32 $0x2  }
0xb: {  	_ =	swait.ge [sflag:s3], $0x80  }
0xc: {  	[sflag:s3] =	ssyncset.done $0x0  }
0xd: {  	s29 =	simm.s32 $0x1;
	[sflag:s3] =	ssyncadd.s32 $0xFFFFFF80  }
0xe: {  	v0 =	vld [tilespmem:$0x200];
	_ =	swait.ge [sflag:s29], $0x200  }
0xf: {  	[sflag:s29] =	ssyncset.done $0x0  }
0x10: {  	[sflag:s29] =	ssyncadd.s32 $0xFFFFFE00  }
0x11: {  	v4 =	vld [tilespmem:$0x0]  }
0x12: {  	v5 =	vld [tilespmem:$0x10]  }
0x13: {  	v6 =	vld [tilespmem:$0x20]  }
0x14: {  	v7 =	vld [tilespmem:$0x30]  }
0x15: {  	v8 =	vld [tilespmem:$0x40]  }
0x16: {  	v9 =	vld [tilespmem:$0x50]  }
0x17: {  	v10 =	vld [tilespmem:$0x60]  }
0x18: {  	v11 =	vld [tilespmem:$0x70]  }
0x19: {  	v13 =	vld [tilespmem:$0x80]  }
0x1a: {  	v2 =	vlaneseq.u32;
	v15 =	vld [tilespmem:$0x90]  }
0x1b: {  	v12 =	vimm.f32 $2.598946170e-02;
	v3 =	vand.u32 $0x1, v2;
	v14 =	vshrl.u32 v2, $0x2;
	v16 =	vld [tilespmem:$0xA0]  }
0x1c: {  	v38 =	vshrl.u32 v2, $0x1;
	v2 =	vshrl.u32 v2, $0x3;
	v14 =	vand.u32 $0x1, v14;
	v40 =	vld [tilespmem:$0xB0]  }
0x1d: {  	v18 =	vld [tilespmem:$0xC0];
	v1 =	vand.u32 $0x1, v0;
	v37 =	vshrl.u32 v0, $0x1;
	v22 =	vand.u32 $0x100, v0  }
0x1e: {  	v20 =	vld [tilespmem:$0xD0];
	vm0 =	veq.s32 v1, v3;
	v1 =	vand.u32 $0x1, v37;
	v3 =	vand.u32 $0x1, v38  }
0x1f: {  	v44 =	vld [tilespmem:$0x100];
	vm8 =	veq.s32 v22, $0x0;
	vm1 =	veq.s32 v1, v3;
	v1 =	vimm.f32 $1.353352810e-01  }
0x20: {  	v21 =	vld [tilespmem:$0x110];
	v12 =	vsel vm0, $0x3E44A581, v12;
	v17 =	vsel vm1, $0x3F800000, v1;
	v47 =	vsel vm8, $0x3F800000, v1  }
0x21: {  	v45 =	vld [tilespmem:$0x120];
	v39 =	vshrl.u32 v0, $0x2;
	v41 =	vmul.f32 v17, v12;
	v4 =	vmul.f32 v4, v47  }
0x22: {  	v24 =	vld [tilespmem:$0x130];
	v43 =	vshrl.u32 v0, $0x3;
	v5 =	vmul.f32 v5, v47;
	v6 =	vmul.f32 v6, v47  }
0x23: {  	v46 =	vld [tilespmem:$0x140];
	v19 =	vshra.s32 v0, $0x9;
	v7 =	vmul.f32 v7, v47;
	v8 =	vmul.f32 v8, v47  }
0x24: {  	v26 =	vld [tilespmem:$0x150];
	v3 =	vand.u32 $0x1, v39;
	v9 =	vmul.f32 v9, v47;
	v10 =	vmul.f32 v10, v47  }
0x25: {  	v28 =	vld [tilespmem:$0x160];
	vm5 =	veq.s32 v3, v14;
	v11 =	vmul.f32 v11, v47;
	v57 =	vmul.f32 v13, v47  }
0x26: {  	v56 =	vld [tilespmem:$0xE0];
	v42 =	vsel vm5, $0x3F800000, v1;
	v15 =	vmul.f32 v15, v47;
	v16 =	vmul.f32 v16, v47  }
0x27: {  	v48 =	vld [tilespmem:$0x170];
	v17 =	vand.u32 $0x1, v43;
	v14 =	vmul.f32 v40, v47;
	v34 =	vmul.f32 v18, v47  }
0x28: {  	v30 =	vld [tilespmem:$0x180];
	vm6 =	veq.s32 v17, v2;
	v2 =	vxor.u32 s5, v19;
	v3 =	vmul.f32 v41, v42  }
0x29: {  	v31 =	vld [tilespmem:$0x190];
	v36 =	vmul.f32 v20, v47;
	v17 =	vsel vm6, $0x3F800000, v1;
	v19 =	vand.u32 $0x1, v2  }
0x2a: {  	v50 =	vld [tilespmem:$0x1A0];
	vm7 =	veq.s32 v19, $0x0;
	v17 =	vmul.f32 v3, v17;
	v3 =	vimm.f32 $1.000000000e+00  }
0x2b: {  	v52 =	vld [tilespmem:$0x1B0];
	v38 =	vmul.f32 v56, v47;
	v23 =	vsel vm7, $0x3F800000, v1;
	v25 =	vsel vm8, $0x3E0A9555, v3  }
0x2c: {  	v54 =	vld [tilespmem:$0x1C0];
	v17 =	vmul.f32 v17, v23;
	v12 =	vmul.f32 v44, v25  }
0x2d: {  	v61 =	vld [tilespmem:$0x1D0];
	v39 =	vand.u32 $0x80, v0;
	v21 =	vmul.f32 v21, v25;
	v19 =	vmul.f32 v45, v25  }
0x2e: {  	v63 =	vld [tilespmem:$0x1E0];
	vm10 =	veq.s32 v39, $0x0;
	v24 =	vmul.f32 v24, v25;
	v49 =	vmul.f32 v46, v25  }
0x2f: {  	v59 =	vld [tilespmem:$0xF0];
	v27 =	vand.u32 $0x2, v2;
	v51 =	vmul.f32 v26, v25;
	v53 =	vmul.f32 v28, v25  }
0x30: {  	v33 =	vld [tilespmem:$0x1F0];
	v41 =	vsel vm10, $0x3F800000, v1;
	v55 =	vmul.f32 v48, v25;
	v58 =	vmul.f32 v30, v25  }
0x31: {  	vm9 =	veq.s32 v27, $0x0;
	v60 =	vmul.f32 v31, v25;
	v62 =	vmul.f32 v50, v25  }
0x32: {  	v29 =	vsel vm9, $0x3F800000, v1;
	v32 =	vmul.f32 v52, v25;
	v35 =	vmul.f32 v54, v25  }
0x33: {  	v42 =	vsel vm10, $0x3E0A9555, v3;
	v37 =	vmul.f32 v61, v25;
	v22 =	vmul.f32 v63, v25  }
0x34: {  	v23 =	vmul.f32 v59, v47;
	v4 =	vadd.f32 v12, v4;
	v5 =	vadd.f32 v21, v5  }
0x35: {  	v40 =	vmul.f32 v33, v25;
	v6 =	vadd.f32 v19, v6;
	v7 =	vadd.f32 v24, v7  }
0x36: {  	v48 =	vand.u32 $0x40, v0;
	v8 =	vadd.f32 v49, v8;
	v9 =	vadd.f32 v51, v9  }
0x37: {  	vm11 =	veq.s32 v48, $0x0;
	v10 =	vadd.f32 v53, v10;
	v11 =	vadd.f32 v55, v11  }
0x38: {  	v12 =	vadd.f32 v58, v57;
	v17 =	vmul.f32 v17, v29;
	v15 =	vadd.f32 v60, v15  }
0x39: {  	v16 =	vadd.f32 v62, v16;
	v14 =	vadd.f32 v32, v14;
	v4 =	vmul.f32 v4, v41  }
0x3a: {  	v13 =	vadd.f32 v35, v34;
	v12 =	vmul.f32 v12, v42;
	v5 =	vmul.f32 v5, v41  }
0x3b: {  	v18 =	vadd.f32 v37, v36;
	v15 =	vmul.f32 v15, v42;
	v6 =	vmul.f32 v6, v41  }
0x3c: {  	v43 =	vadd.f32 v22, v38;
	v16 =	vmul.f32 v16, v42;
	v7 =	vmul.f32 v7, v41  }
0x3d: {  	v44 =	vadd.f32 v40, v23;
	v45 =	vmul.f32 v14, v42;
	v8 =	vmul.f32 v8, v41  }
0x3e: {  	v51 =	vsel vm11, $0x3F800000, v1;
	v13 =	vmul.f32 v13, v42;
	v9 =	vmul.f32 v9, v41  }
0x3f: {  	v52 =	vsel vm11, $0x3E0A9555, v3;
	v46 =	vmul.f32 v18, v42;
	v10 =	vmul.f32 v10, v41  }
0x40: {  	v49 =	vmul.f32 v43, v42;
	v4 =	vadd.f32 v12, v4;
	v5 =	vadd.f32 v15, v5  }
0x41: {  	v11 =	vmul.f32 v11, v41;
	v6 =	vadd.f32 v16, v6;
	v8 =	vadd.f32 v13, v8  }
0x42: {  	v50 =	vmul.f32 v44, v42;
	v7 =	vadd.f32 v45, v7;
	v9 =	vadd.f32 v46, v9  }
0x43: {  	v10 =	vadd.f32 v49, v10;
	v4 =	vmul.f32 v4, v51;
	v8 =	vmul.f32 v8, v52  }
0x44: {  	v11 =	vadd.f32 v50, v11;
	v5 =	vmul.f32 v5, v51;
	v9 =	vmul.f32 v9, v52  }
0x45: {  	v55 =	vand.u32 $0x20, v0;
	v6 =	vmul.f32 v6, v51;
	v53 =	vmul.f32 v10, v52  }
0x46: {  	vm12 =	veq.s32 v55, $0x0;
	v7 =	vmul.f32 v7, v51;
	v54 =	vmul.f32 v11, v52  }
0x47: {  	v56 =	vsel vm12, $0x3F800000, v1;
	v4 =	vadd.f32 v8, v4;
	v6 =	vadd.f32 v53, v6  }
0x48: {  	v57 =	vsel vm12, $0x3E0A9555, v3;
	v5 =	vadd.f32 v9, v5;
	v7 =	vadd.f32 v54, v7  }
0x49: {  	v47 =	vand.u32 $0x4, v2;
	v4 =	vmul.f32 v4, v56;
	v6 =	vmul.f32 v6, v57  }
0x4a: {  	vm13 =	veq.s32 v47, $0x0;
	v5 =	vmul.f32 v5, v56;
	v7 =	vmul.f32 v7, v57  }
0x4b: {  	v58 =	vsel vm13, $0x3F800000, v1;
	v0 =	vand.u32 $0x10, v0;
	v60 =	vand.u32 $0x8, v2  }
0x4c: {  	vm14 =	veq.s32 v0, $0x0;
	v4 =	vadd.f32 v6, v4;
	v5 =	vadd.f32 v7, v5  }
0x4d: {  	v59 =	vmul.f32 v17, v58;
	v61 =	vsel vm14, $0x3F800000, v1;
	v3 =	vsel vm14, $0x3E0A9555, v3  }
0x4e: {  	vm15 =	veq.s32 v60, $0x0;
	v62 =	vmul.f32 v4, v61;
	v63 =	vmul.f32 v5, v3  }
0x4f: {  	v1 =	vsel vm15, $0x3F800000, v1  }
0x50: {  	v1 =	vmul.f32 v59, v1;
	v0 =	vadd.f32 v63, v62;
	_ =	sdelay $0x1  }
0x51: {  	v0 =	vmul.f32 v0, v1  }
0x52: {  	s30 =	sshll.u32 s5, $0x4  }
0x53: {  	s31 =	sadd.s32 s30, s4;
	s6 =	simm.s32 $0x280;
	[tilespmem:$0x280] =	vst v0  }
0x54: {  	[hbm4b:s31+s2] =	stream.linear.scatter [tilespmem:s6], [sflag:$0x2], $0x80, $0x38;
	[tilespmem:$0xB00] =	vst v63  }
0x55: {  	_ =	swait.ge [sflag:s3], $0x80  }
0x56: {  	[sflag:s3] =	ssyncset.done $0x0  }
0x57: {  	[sflag:s3] =	ssyncadd.s32 $0xFFFFFF80  }
0x58: {  	p0 =	sne.s32 s5, $0x0;
	[bflag:$0x0] =	sbarrier.arrive $0xFFFF  }
0x59: {  	_ =	sfence.sel @p0 $0x180000  }
0x5a: {  	[bflag:$0x0] =	sbarrier.arrive @p0 $0xFFFF  }
0x5b: {  	_ =	strace @p0 $0x90000047  }
0x5c: {  	[bflag:$0x2] =	sbarrier.arrive @p0 $0xFFFF  }
0x5d: {  	_ =	shalt @p0  }
.LBB2_1:
0x5e: {  	s5 =	simm.s32 $0x300  }
0x5f: {  	[tilespmem:s5], [sflag:$0x2] =	stream.linear.gather [hbm4b:s4+s2], $0x800, $0x38;
	[tilespmem:$0xB00] =	vst v63  }
0x60: {  	_ =	swait.ge [sflag:s3], $0x800  }
0x61: {  	[sflag:s3] =	ssyncset.done $0x0  }
0x62: {  	[sflag:s3] =	ssyncadd.s32 $0xFFFFF800  }
0x63: {  	v0 =	vld [tilespmem:$0x300]  }
0x64: {  	v1 =	vld [tilespmem:$0x380];
	_ =	sdelay $0x1  }
0x65: {  	v2 =	vld [tilespmem:$0x400];
	_ =	sdelay $0x1  }
0x66: {  	v3 =	vld [tilespmem:$0x480]  }
0x67: {  	v0 =	vadd.f32 v1, v0  }
0x68: {  	v42 =	vld [tilespmem:$0x500]  }
0x69: {  	v0 =	vadd.f32 v2, v0  }
0x6a: {  	v43 =	vld [tilespmem:$0x580]  }
0x6b: {  	v0 =	vadd.f32 v3, v0  }
0x6c: {  	v44 =	vld [tilespmem:$0x600]  }
0x6d: {  	v0 =	vadd.f32 v42, v0  }
0x6e: {  	v45 =	vld [tilespmem:$0x680]  }
0x6f: {  	v0 =	vadd.f32 v43, v0  }
0x70: {  	v46 =	vld [tilespmem:$0x700]  }
0x71: {  	v0 =	vadd.f32 v44, v0  }
0x72: {  	v47 =	vld [tilespmem:$0x780]  }
0x73: {  	v0 =	vadd.f32 v45, v0  }
0x74: {  	v48 =	vld [tilespmem:$0x800]  }
0x75: {  	v0 =	vadd.f32 v46, v0  }
0x76: {  	v49 =	vld [tilespmem:$0x880]  }
0x77: {  	v0 =	vadd.f32 v47, v0  }
0x78: {  	v50 =	vld [tilespmem:$0x900]  }
0x79: {  	v0 =	vadd.f32 v48, v0  }
0x7a: {  	v51 =	vld [tilespmem:$0x980]  }
0x7b: {  	v0 =	vadd.f32 v49, v0  }
0x7c: {  	v4 =	vimm.s32 $0xFEDCBA98;
	v52 =	vld [tilespmem:$0xA00]  }
0x7d: {  	v54 =	vimm.s32 $0x76543210;
	v4 =	vunpack.c.l.s4.s8 v4;
	v0 =	vadd.f32 v50, v0  }
0x7e: {  	v53 =	vld [tilespmem:$0xA80];
	v1 =	vunpack.c.l.s4.s8 v54  }
0x7f: {  	v55 =	vunpack.c.0.s8.s32 v4;
	v0 =	vadd.f32 v51, v0  }
0x80: {  	v56 =	vimm.s32 $0xBA98FEDC;
	v1 =	vunpack.c.0.s8.s32 v1  }
0x81: {  	v57 =	vimm.s32 $0x32107654;
	v2 =	vand.u32 $0xF, v55;
	v0 =	vadd.f32 v52, v0  }
0x82: {  	v1 =	vcombine.low v2, v1;
	v2 =	vunpack.c.l.s4.s8 v56;
	v3 =	vunpack.c.l.s4.s8 v57  }
0x83: {  	v0 =	vadd.f32 v53, v0  }
0x84: {  	v2 =	vunpack.c.0.s8.s32 v2;
	v3 =	vunpack.c.0.s8.s32 v3  }
0x85: {  	v1 =	vperm.xlane v0, v1  }
0x86: {  	v59 =	vimm.s32 $0xDCFE98BA;
	v60 =	vimm.s32 $0x54761032;
	v58 =	vcombine.low v3, v2  }
0x87: {  	v2 =	vunpack.c.l.s4.s8 v59;
	v3 =	vunpack.c.l.s4.s8 v60;
	v0 =	vadd.f32 v1, v0  }
0x88: {  	v62 =	vimm.s32 $0x67452301  }
0x89: {  	v2 =	vunpack.c.0.s8.s32 v2;
	v3 =	vunpack.c.0.s8.s32 v3;
	v1 =	vperm.xlane v0, v58  }
0x8a: {  	v61 =	vimm.s32 $0xEFCDAB89;
	v63 =	vunpack.c.l.s4.s8 v62  }
0x8b: {  	v2 =	vcombine.low v3, v2;
	v0 =	vadd.f32 v1, v0;
	v1 =	vunpack.c.l.s4.s8 v61;
	_ =	sdelay $0x1  }
0x8c: {  	v3 =	vunpack.c.0.s8.s32 v63;
	v2 =	vperm.xlane v0, v2;
	v1 =	vunpack.c.0.s8.s32 v1;
	_ =	sdelay $0x1  }
0x8d: {  	v0 =	vadd.f32 v2, v0;
	v1 =	vcombine.low v3, v1;
	_ =	sdelay $0x1  }
0x8e: {  	v1 =	vperm.xlane v0, v1;
	_ =	sdelay $0x1  }
0x8f: {  	v0 =	vadd.f32 v1, v0;
	_ =	sdelay $0x1  }
0x90: {  	[tilespmem:$0x280] =	vst v0  }
0x91: {  	[hbm4b:s1+s2] =	stream.linear.scatter [tilespmem:s6], [sflag:$0x2], $0x80, $0x38;
	[tilespmem:$0xB00] =	vst v63  }
0x92: {  	_ =	swait.ge [sflag:s3], $0x80  }
0x93: {  	[sflag:s3] =	ssyncset.done $0x0  }
0x94: {  	[sflag:s3] =	ssyncadd.s32 $0xFFFFFF80  }
0x95: {  	_ =	sfence.sel $0x180000  }
0x96: {  	[bflag:$0x0] =	sbarrier.arrive $0xFFFF  }
0x97: {  	_ =	strace $0x90000047  }
0x98: {  	s0 =	sadd.s32 $0x100000, s0;
	[bflag:$0x2] =	sbarrier.arrive $0xFFFF  }
0x99: {  	[sflag:s0] =	ssyncadd.tile.s32 $0x1;
	_ =	shalt  }
.Lfunc_end2:
_tile_overlayer_lowered:
.L_overlay_start_2:
0x9a: {  	(tag) =	ssettag $0x2  }
0x9b: {  	s0 =	rddreg [dreg:$0x0];
	s2 =	stileid.u32  }
0x9c: {  	s1 =	rddreg [dreg:$0x1];
	p0 =	sne.s32 s2, $0x0  }
0x9d: {  	s3 =	rddreg [dreg:$0x2];
	[bflag:$0x3] =	sbarrier.arrive $0xFFFF;
	s2 =	simm.s32 @!p0 $0x1C02  }
0x9e: {  	[timem:s3], [sflag:s2] =	dma.local @!p0 [hbm:s0], s1  }
0x9f: {  	s0 =	simm.s32 @!p0 $0x2  }
0xa0: {  	_ =	swait.ge @!p0 [sflag:s0], s1  }
0xa1: {  	s1 =	ssub.s32 @!p0 $0x0, s1;
	[sflag:s0] =	ssyncset.done @!p0 $0x0  }
0xa2: {  	[sflag:s0] =	ssyncadd.s32 @!p0 s1  }
0xa3: {  	[bflag:$0x3] =	sbarrier.arrive $0xFFFF  }
0xa4: {  	_ =	shalt  }

</sc_bundles>
